<compile_context>
chip_gen: v7x
topology: tpu7x:2x2x1
jax: 0.10.2.dev20260603
libtpu: 0.0.44.dev20260713+nightly
codegen_flags: <defaults>
</compile_context>

<pallas_src>
import functools

import jax
import jax.numpy as jnp
from jax import lax
from jax.experimental import pallas as pl
from jax.experimental.pallas import tpu as pltpu
from jax.experimental.pallas import tpu_sc as plsc

_MAX_END = 64
_ROWS = 72
_LANES = 16
_NWORKERS = 32
_NCHUNK = 4


def _tc_stage(seq_ref, si_ref, w_ref, b_ref, table_ref, invd_ref):
    bsz = seq_ref.shape[0]
    d = seq_ref.shape[2]
    nall = si_ref.shape[1]
    n = nall // bsz
    nrows = bsz * _MAX_END
    x = seq_ref[...].reshape(nrows, d)
    logits_row = lax.dot_general(w_ref[...], x, (((1,), (1,)), ((), ())),
                                 preferred_element_type=jnp.float32)
    logits_row = logits_row + b_ref[0, 0]
    m = jnp.max(logits_row, axis=1, keepdims=True)
    p_row = jnp.exp(logits_row - m)

    r = lax.broadcasted_iota(jnp.int32, (bsz * _ROWS, nrows), 0)
    t = lax.broadcasted_iota(jnp.int32, (bsz * _ROWS, nrows), 1)
    same = (r // _ROWS) == (t // _MAX_END)
    below = (t % _MAX_END) < (r % _ROWS)
    tri = (same & below).astype(jnp.float32) * p_row
    table_ref[...] = jnp.dot(tri, x, preferred_element_type=jnp.float32)

    s_row = si_ref[0:1, :]
    e_row = si_ref[1:2, :]
    tg = lax.broadcasted_iota(jnp.int32, (nrows, nall), 0)
    col = lax.broadcasted_iota(jnp.int32, (nrows, nall), 1)
    tpos = tg % _MAX_END
    mask_t = ((tg // _MAX_END == col // n) & (tpos >= s_row)
              & (tpos <= e_row)).astype(jnp.float32)
    d_row = jnp.dot(p_row, mask_t, preferred_element_type=jnp.float32)
    invd_ref[...] = jnp.broadcast_to(jnp.transpose(1.0 / d_row),
                                     (nall, _LANES))


def _make_sc_stage(nspans, spans_per_batch, d):
    g = nspans // _NWORKERS
    cg = g // _NCHUNK
    mesh = plsc.VectorSubcoreMesh(core_axis_name="c", subcore_axis_name="s")

    @functools.partial(
        pl.kernel,
        mesh=mesh,
        out_type=jax.ShapeDtypeStruct((nspans, d), jnp.float32),
        scratch_types=[
            pltpu.VMEM((g,), jnp.int32),
            pltpu.VMEM((g,), jnp.int32),
            pltpu.VMEM((g, _LANES), jnp.float32),
            pltpu.VMEM((g, d), jnp.float32),
            pltpu.VMEM((g, d), jnp.float32),
            pltpu.VMEM((g, d), jnp.float32),
            pltpu.SemaphoreType.DMA,
            pltpu.SemaphoreType.DMA,
            pltpu.SemaphoreType.DMA,
            pltpu.SemaphoreType.DMA,
            pltpu.SemaphoreType.DMA,
        ],
    )
    def sc_stage(table_hbm, sp_hbm, invd_hbm, out_hbm, eidx_v, sidx_v,
                 invd_v, rows_e, rows_s, out_v, sem0, sem1, sem2, sem3,
                 sem_w):
        wid = lax.axis_index("s") * 2 + lax.axis_index("c")
        base = wid * g
        pltpu.sync_copy(sp_hbm.at[pl.ds(base, g)], sidx_v)
        pltpu.sync_copy(sp_hbm.at[pl.ds(nspans + base, g)], eidx_v)
        pltpu.sync_copy(invd_hbm.at[pl.ds(base, g)], invd_v)

        rowb = (base // spans_per_batch) * _ROWS
        for c in range(g // _LANES):
            sl = pl.ds(c * _LANES, _LANES)
            eidx_v[sl] = eidx_v[sl] + (rowb + 1)
            sidx_v[sl] = sidx_v[sl] + rowb

        copies = []
        sems = [sem0, sem1, sem2, sem3]
        for c in range(_NCHUNK):
            sl = pl.ds(c * cg, cg)
            ce = pltpu.async_copy(table_hbm.at[eidx_v.at[sl]],
                                  rows_e.at[sl], sems[c])
            cs = pltpu.async_copy(table_hbm.at[sidx_v.at[sl]],
                                  rows_s.at[sl], sems[c])
            copies.append((ce, cs))

        writes = []
        for c in range(_NCHUNK):
            ce, cs = copies[c]
            ce.wait()
            cs.wait()

            @plsc.parallel_loop(c * cg, (c + 1) * cg)
            def span_loop(i):
                inv = invd_v[i]

                @plsc.parallel_loop(0, d // _LANES, unroll=16)
                def col_loop(j):
                    sl2 = pl.ds(j * _LANES, _LANES)
                    out_v[i, sl2] = (rows_e[i, sl2] - rows_s[i, sl2]) * inv

            writes.append(
                pltpu.async_copy(out_v.at[pl.ds(c * cg, cg)],
                                 out_hbm.at[pl.ds(base + c * cg, cg)],
                                 sem_w))
        for wc in writes:
            wc.wait()

    return sc_stage


def kernel(sequence_tensor, span_indices, w, b):
    bsz, _, d = sequence_tensor.shape
    n = span_indices.shape[1]
    bb = b.reshape(1, 1)
    spans_t = jnp.transpose(span_indices.reshape(bsz * n, 2))

    table, invd = pl.pallas_call(
        _tc_stage,
        grid=(1,),
        in_specs=[
            pl.BlockSpec((bsz, _MAX_END, d), lambda i: (0, 0, 0)),
            pl.BlockSpec((2, bsz * n), lambda i: (0, 0)),
            pl.BlockSpec((1, d), lambda i: (0, 0)),
            pl.BlockSpec((1, 1), lambda i: (0, 0)),
        ],
        out_specs=[
            pl.BlockSpec((bsz * _ROWS, d), lambda i: (0, 0)),
            pl.BlockSpec((bsz * n, _LANES), lambda i: (0, 0)),
        ],
        out_shape=[
            jax.ShapeDtypeStruct((bsz * _ROWS, d), jnp.float32),
            jax.ShapeDtypeStruct((bsz * n, _LANES), jnp.float32),
        ],
    )(sequence_tensor, spans_t, w.reshape(1, d), bb)

    sc_stage = _make_sc_stage(bsz * n, n, d)
    out = sc_stage(table, spans_t.reshape(-1), invd)
    return out.reshape(bsz, n, d)

# --- scband reference (transcript-rebuilt; emitter-appended) ---
"""Pipeline reference for scband-self-attentive-span-extractor-26448408609335 (READ-ONLY COPY).

The authoritative reference and input builder live on the scoring server;
editing this copy changes nothing except your own understanding.
"""

import jax, jax.numpy as jnp
import numpy as np

B, S, D = 4, 2048, 1024
N = 256
MAX_END = 64


def setup_inputs(seed: int = 0) -> dict:
    key = jax.random.key(seed)
    k1, k2, k3 = jax.random.split(key, 3)
    sequence_tensor = jax.random.normal(k1, (B, S, D), dtype=jnp.float32)
    # sorted_randint: sort along last axis so start <= end, values in [0, MAX_END)
    span_indices = jnp.sort(jax.random.randint(k2, (B, N, 2), 0, MAX_END), axis=-1).astype(jnp.int32)
    # Learned params of TimeDistributed(Linear(input_dim, 1))
    w = (jax.random.normal(k3, (D, 1), dtype=jnp.float32) * 0.02)
    b = jnp.zeros((1,), dtype=jnp.float32)
    return {"sequence_tensor": sequence_tensor, "span_indices": span_indices, "w": w, "b": b}


def reference(sequence_tensor, span_indices, w, b):
    # global attention logits: Linear(D, 1) applied timestep-wise
    global_attention_logits = jnp.matmul(sequence_tensor, w) + b  # [B, S, 1]
    concat_tensor = jnp.concatenate([sequence_tensor, global_attention_logits], axis=-1)  # [B, S, D+1]

    # batched_span_select
    span_starts = span_indices[..., 0:1]  # [B, N, 1]
    span_ends = span_indices[..., 1:2]    # [B, N, 1]
    span_widths = span_ends - span_starts
    max_batch_span_width = jnp.max(span_widths) + 1  # traced scalar
    # span widths are bounded statically: indices drawn in [0, MAX_END)
    max_span_range_indices = jnp.arange(MAX_END, dtype=jnp.int32).reshape(1, 1, -1)
    span_mask = (max_span_range_indices <= span_widths).astype(jnp.float32)
    raw_span_indices = span_ends - max_span_range_indices
    span_mask = span_mask * (raw_span_indices >= 0).astype(jnp.float32)
    span_idx = jnp.maximum(raw_span_indices, 0).astype(jnp.int32)  # [B, N, W]

    Bq, Nq, Wq = span_idx.shape
    flat_idx = span_idx.reshape(Bq, Nq * Wq, 1)
    concat_output = jnp.take_along_axis(concat_tensor, flat_idx, axis=1).reshape(Bq, Nq, Wq, -1)

    span_embeddings = concat_output[..., :-1]      # [B, N, W, D]
    span_attention_logits = concat_output[..., -1]  # [B, N, W]

    # masked_softmax (memory_efficient=False branch)
    in_range = max_span_range_indices < max_batch_span_width  # [1, 1, W]
    scores = jnp.where(in_range, span_attention_logits * span_mask, -jnp.inf)
    masked = jax.nn.softmax(scores, axis=-1) * span_mask
    span_attention_weights = masked / (jnp.sum(masked, axis=-1, keepdims=True) + 1e-13)

    # weighted_sum
    attended_text_embeddings = jnp.sum(span_attention_weights[..., None] * span_embeddings, axis=-2)  # [B, N, D]
    return attended_text_embeddings

if __name__ == "__main__":
    import jax
    _d = setup_inputs()
    print(jax.jit(kernel)(*tuple(_d.values())))

</pallas_src>

<mosaic_0001>
#map = affine_map<(d0, d1) -> (0, 0)>
#map1 = affine_map<(d0, d1) -> (0)>
module attributes {stable_mosaic.version = 14 : i64} {
  func.func @sc_stage(%arg0: i32, %arg1: i32, %arg2: memref<288x1024xf32, #tpu.memory_space<hbm>>, %arg3: memref<2048xi32, #tpu.memory_space<hbm>>, %arg4: memref<1024x16xf32, #tpu.memory_space<hbm>>, %arg5: memref<1024x1024xf32, #tpu.memory_space<hbm>>, %arg6: memref<32xi32, #tpu.memory_space<vmem>>, %arg7: memref<32xi32, #tpu.memory_space<vmem>>, %arg8: memref<32x16xf32, #tpu.memory_space<vmem>>, %arg9: memref<32x1024xf32, #tpu.memory_space<vmem>>, %arg10: memref<32x1024xf32, #tpu.memory_space<vmem>>, %arg11: memref<32x1024xf32, #tpu.memory_space<vmem>>, %arg12: memref<!tpu.dma_semaphore, #tpu.memory_space<semaphore_mem>>, %arg13: memref<!tpu.dma_semaphore, #tpu.memory_space<semaphore_mem>>, %arg14: memref<!tpu.dma_semaphore, #tpu.memory_space<semaphore_mem>>, %arg15: memref<!tpu.dma_semaphore, #tpu.memory_space<semaphore_mem>>, %arg16: memref<!tpu.dma_semaphore, #tpu.memory_space<semaphore_mem>>) attributes {dimension_semantics = [#tpu.dimension_semantics<core_parallel>, #tpu.dimension_semantics<subcore_parallel>], iteration_bounds = array<i64: 2, 16>, scalar_prefetch = 0 : i64, scratch_operands = 11 : i64, tpu.core_type = #tpu.core_type<sc_vector_subcore>, window_params = [{transform_indices = #map}, {transform_indices = #map1}, {transform_indices = #map}, {transform_indices = #map}]} {
    %mul3A = arith.constant 2 : i32
    %mul3A_0 = arith.muli %arg1, %mul3A : i32
    %add3A = arith.addi %mul3A_0, %arg0 : i32
    %mul3A_1 = arith.constant 32 : i32
    %mul3A_2 = arith.muli %add3A, %mul3A_1 : i32
    "tpu.region"() ({
      %run_scoped3A = tpu.sem_alloc : memref<!tpu.dma_semaphore, #tpu.memory_space<semaphore_mem>>
      %dma_start3A_286 = tpu.memref_slice %arg3[%mul3A_2] : memref<2048xi32, #tpu.memory_space<hbm>> -> memref<32xi32, #tpu.memory_space<hbm>>
      %dma_start3A_287 = tpu.memref_slice %arg3[%mul3A_2] : memref<2048xi32, #tpu.memory_space<hbm>> -> memref<32xi32, #tpu.memory_space<hbm>>
      tpu.enqueue_dma source(%dma_start3A_287 : memref<32xi32, #tpu.memory_space<hbm>>) target(%arg7 : memref<32xi32, #tpu.memory_space<vmem>>) target_semaphore(%run_scoped3A : memref<!tpu.dma_semaphore, #tpu.memory_space<semaphore_mem>>)
      %dma_wait3A_288 = tpu.memref_slice %arg3[%mul3A_2] : memref<2048xi32, #tpu.memory_space<hbm>> -> memref<32xi32, #tpu.memory_space<hbm>>
      %dma_wait3A_289 = tpu.memref_slice %arg3[%mul3A_2] : memref<2048xi32, #tpu.memory_space<hbm>> -> memref<32xi32, #tpu.memory_space<hbm>>
      tpu.wait_dma2 semaphore(%run_scoped3A : memref<!tpu.dma_semaphore, #tpu.memory_space<semaphore_mem>>) src(%dma_wait3A_289 : memref<32xi32, #tpu.memory_space<hbm>>) dst(%arg7 : memref<32xi32, #tpu.memory_space<vmem>>)
      tpu.yield
    }) : () -> ()
    %add3A_3 = arith.constant 1024 : i32
    %add3A_4 = arith.addi %add3A_3, %mul3A_2 : i32
    "tpu.region"() ({
      %run_scoped3A = tpu.sem_alloc : memref<!tpu.dma_semaphore, #tpu.memory_space<semaphore_mem>>
      %dma_start3A_286 = tpu.memref_slice %arg3[%add3A_4] : memref<2048xi32, #tpu.memory_space<hbm>> -> memref<32xi32, #tpu.memory_space<hbm>>
      %dma_start3A_287 = tpu.memref_slice %arg3[%add3A_4] : memref<2048xi32, #tpu.memory_space<hbm>> -> memref<32xi32, #tpu.memory_space<hbm>>
      tpu.enqueue_dma source(%dma_start3A_287 : memref<32xi32, #tpu.memory_space<hbm>>) target(%arg6 : memref<32xi32, #tpu.memory_space<vmem>>) target_semaphore(%run_scoped3A : memref<!tpu.dma_semaphore, #tpu.memory_space<semaphore_mem>>)
      %dma_wait3A_288 = tpu.memref_slice %arg3[%add3A_4] : memref<2048xi32, #tpu.memory_space<hbm>> -> memref<32xi32, #tpu.memory_space<hbm>>
      %dma_wait3A_289 = tpu.memref_slice %arg3[%add3A_4] : memref<2048xi32, #tpu.memory_space<hbm>> -> memref<32xi32, #tpu.memory_space<hbm>>
      tpu.wait_dma2 semaphore(%run_scoped3A : memref<!tpu.dma_semaphore, #tpu.memory_space<semaphore_mem>>) src(%dma_wait3A_289 : memref<32xi32, #tpu.memory_space<hbm>>) dst(%arg6 : memref<32xi32, #tpu.memory_space<vmem>>)
      tpu.yield
    }) : () -> ()
    "tpu.region"() ({
      %run_scoped3A = tpu.sem_alloc : memref<!tpu.dma_semaphore, #tpu.memory_space<semaphore_mem>>
      %dma_start3A_286 = arith.constant 0 : i32
      %dma_start3A_287 = tpu.memref_slice %arg4[%mul3A_2, %dma_start3A_286] : memref<1024x16xf32, #tpu.memory_space<hbm>> -> memref<32x16xf32, #tpu.memory_space<hbm>>
      %dma_start3A_288 = arith.constant 0 : i32
      %dma_start3A_289 = tpu.memref_slice %arg4[%mul3A_2, %dma_start3A_288] : memref<1024x16xf32, #tpu.memory_space<hbm>> -> memref<32x16xf32, #tpu.memory_space<hbm>>
      tpu.enqueue_dma source(%dma_start3A_289 : memref<32x16xf32, #tpu.memory_space<hbm>>) target(%arg8 : memref<32x16xf32, #tpu.memory_space<vmem>>) target_semaphore(%run_scoped3A : memref<!tpu.dma_semaphore, #tpu.memory_space<semaphore_mem>>)
      %dma_wait3A_290 = arith.constant 0 : i32
      %dma_wait3A_291 = tpu.memref_slice %arg4[%mul3A_2, %dma_wait3A_290] : memref<1024x16xf32, #tpu.memory_space<hbm>> -> memref<32x16xf32, #tpu.memory_space<hbm>>
      %dma_wait3A_292 = arith.constant 0 : i32
      %dma_wait3A_293 = tpu.memref_slice %arg4[%mul3A_2, %dma_wait3A_292] : memref<1024x16xf32, #tpu.memory_space<hbm>> -> memref<32x16xf32, #tpu.memory_space<hbm>>
      tpu.wait_dma2 semaphore(%run_scoped3A : memref<!tpu.dma_semaphore, #tpu.memory_space<semaphore_mem>>) src(%dma_wait3A_293 : memref<32x16xf32, #tpu.memory_space<hbm>>) dst(%arg8 : memref<32x16xf32, #tpu.memory_space<vmem>>)
      tpu.yield
    }) : () -> ()
    %jit3A = arith.constant 256 : i32
    %div3A = arith.divsi %mul3A_2, %jit3A : i32
    %sign3A = arith.constant 0 : i32
    %sign3A_5 = arith.cmpi sgt, %mul3A_2, %sign3A : i32
    %sign3A_6 = arith.extui %sign3A_5 : i1 to i32
    %sign3A_7 = arith.constant 0 : i32
    %sign3A_8 = arith.cmpi slt, %mul3A_2, %sign3A_7 : i32
    %sign3A_9 = arith.extui %sign3A_8 : i1 to i32
    %sign3A_10 = arith.subi %sign3A_6, %sign3A_9 : i32
    %sign3A_11 = arith.constant 0 : i32
    %sign3A_12 = arith.cmpi sgt, %jit3A, %sign3A_11 : i32
    %sign3A_13 = arith.extui %sign3A_12 : i1 to i32
    %sign3A_14 = arith.constant 0 : i32
    %sign3A_15 = arith.cmpi slt, %jit3A, %sign3A_14 : i32
    %sign3A_16 = arith.extui %sign3A_15 : i1 to i32
    %sign3A_17 = arith.subi %sign3A_13, %sign3A_16 : i32
    %ne3A = arith.cmpi ne, %sign3A_10, %sign3A_17 : i32
    %rem3A = arith.remsi %mul3A_2, %jit3A : i32
    %ne3A_18 = arith.constant 0 : i32
    %ne3A_19 = arith.cmpi ne, %rem3A, %ne3A_18 : i32
    %and3A = arith.andi %ne3A, %ne3A_19 : i1
    %sub3A = arith.constant 1 : i32
    %sub3A_20 = arith.subi %div3A, %sub3A : i32
    %select_n3A = arith.select %and3A, %sub3A_20, %div3A : i32
    %mul3A_21 = arith.constant 72 : i32
    %mul3A_22 = arith.muli %select_n3A, %mul3A_21 : i32
    %get3A = arith.constant 0 : index
    %get3A_23 = tpu.vector_load %arg6[%get3A] {strides = array<i32>} : memref<32xi32, #tpu.memory_space<vmem>>, vector<16xi32>,
    %get3A_24 = vector.shape_cast %get3A_23 : vector<16xi32> to vector<16xi32>
    %add3A_25 = arith.constant 1 : i32
    %add3A_26 = arith.addi %mul3A_22, %add3A_25 : i32
    %add3A_27 = vector.broadcast %add3A_26 : i32 to vector<16xi32>
    %add3A_28 = arith.addi %get3A_24, %add3A_27 : vector<16xi32>
    %swap3A = arith.constant 0 : index
    %swap3A_29 = tpu.vector_load %arg6[%swap3A] {strides = array<i32>} : memref<32xi32, #tpu.memory_space<vmem>>, vector<16xi32>,
    %swap3A_30 = vector.shape_cast %swap3A_29 : vector<16xi32> to vector<16xi32>
    %swap3A_31 = vector.shape_cast %add3A_28 : vector<16xi32> to vector<16xi32>
    tpu.vector_store %arg6[%swap3A], %swap3A_31 {strides = array<i32>} : memref<32xi32, #tpu.memory_space<vmem>>, vector<16xi32>,
    %get3A_32 = arith.constant 0 : index
    %get3A_33 = tpu.vector_load %arg7[%get3A_32] {strides = array<i32>} : memref<32xi32, #tpu.memory_space<vmem>>, vector<16xi32>,
    %get3A_34 = vector.shape_cast %get3A_33 : vector<16xi32> to vector<16xi32>
    %add3A_35 = vector.broadcast %mul3A_22 : i32 to vector<16xi32>
    %add3A_36 = arith.addi %get3A_34, %add3A_35 : vector<16xi32>
    %swap3A_37 = arith.constant 0 : index
    %swap3A_38 = tpu.vector_load %arg7[%swap3A_37] {strides = array<i32>} : memref<32xi32, #tpu.memory_space<vmem>>, vector<16xi32>,
    %swap3A_39 = vector.shape_cast %swap3A_38 : vector<16xi32> to vector<16xi32>
    %swap3A_40 = vector.shape_cast %add3A_36 : vector<16xi32> to vector<16xi32>
    tpu.vector_store %arg7[%swap3A_37], %swap3A_40 {strides = array<i32>} : memref<32xi32, #tpu.memory_space<vmem>>, vector<16xi32>,
    %get3A_41 = arith.constant 16 : index
    %get3A_42 = tpu.vector_load %arg6[%get3A_41] {strides = array<i32>} : memref<32xi32, #tpu.memory_space<vmem>>, vector<16xi32>,
    %get3A_43 = vector.shape_cast %get3A_42 : vector<16xi32> to vector<16xi32>
    %add3A_44 = arith.constant 1 : i32
    %add3A_45 = arith.addi %mul3A_22, %add3A_44 : i32
    %add3A_46 = vector.broadcast %add3A_45 : i32 to vector<16xi32>
    %add3A_47 = arith.addi %get3A_43, %add3A_46 : vector<16xi32>
    %swap3A_48 = arith.constant 16 : index
    %swap3A_49 = tpu.vector_load %arg6[%swap3A_48] {strides = array<i32>} : memref<32xi32, #tpu.memory_space<vmem>>, vector<16xi32>,
    %swap3A_50 = vector.shape_cast %swap3A_49 : vector<16xi32> to vector<16xi32>
    %swap3A_51 = vector.shape_cast %add3A_47 : vector<16xi32> to vector<16xi32>
    tpu.vector_store %arg6[%swap3A_48], %swap3A_51 {strides = array<i32>} : memref<32xi32, #tpu.memory_space<vmem>>, vector<16xi32>,
    %get3A_52 = arith.constant 16 : index
    %get3A_53 = tpu.vector_load %arg7[%get3A_52] {strides = array<i32>} : memref<32xi32, #tpu.memory_space<vmem>>, vector<16xi32>,
    %get3A_54 = vector.shape_cast %get3A_53 : vector<16xi32> to vector<16xi32>
    %add3A_55 = vector.broadcast %mul3A_22 : i32 to vector<16xi32>
    %add3A_56 = arith.addi %get3A_54, %add3A_55 : vector<16xi32>
    %swap3A_57 = arith.constant 16 : index
    %swap3A_58 = tpu.vector_load %arg7[%swap3A_57] {strides = array<i32>} : memref<32xi32, #tpu.memory_space<vmem>>, vector<16xi32>,
    %swap3A_59 = vector.shape_cast %swap3A_58 : vector<16xi32> to vector<16xi32>
    %swap3A_60 = vector.shape_cast %add3A_56 : vector<16xi32> to vector<16xi32>
    tpu.vector_store %arg7[%swap3A_57], %swap3A_60 {strides = array<i32>} : memref<32xi32, #tpu.memory_space<vmem>>, vector<16xi32>,
    %dma_start3A = arith.constant 0 : i32
    %dma_start3A_61 = arith.constant 0 : i32
    %dma_start3A_62 = tpu.memref_slice %arg9[%dma_start3A, %dma_start3A_61] : memref<32x1024xf32, #tpu.memory_space<vmem>> -> memref<8x1024xf32, #tpu.memory_space<vmem>>
    %dma_start3A_63 = arith.constant 0 : i32
    %dma_start3A_64 = tpu.memref_slice %arg6[%dma_start3A_63] : memref<32xi32, #tpu.memory_space<vmem>> -> memref<8xi32, #tpu.memory_space<vmem>>
    %dma_start3A_65 = arith.constant 0 : i32
    %dma_start3A_66 = arith.constant 0 : i32
    %dma_start3A_67 = tpu.memref_slice %arg2[%dma_start3A_65, %dma_start3A_66] : memref<288x1024xf32, #tpu.memory_space<hbm>> -> memref<288x1024xf32, #tpu.memory_space<hbm>>
    tpu.enqueue_indirect_dma source(%dma_start3A_67 : memref<288x1024xf32, #tpu.memory_space<hbm>>) target(%dma_start3A_62 : memref<8x1024xf32, #tpu.memory_space<vmem>>) offsets(%dma_start3A_64 : memref<8xi32, #tpu.memory_space<vmem>>) semaphore(%arg12 : memref<!tpu.dma_semaphore, #tpu.memory_space<semaphore_mem>>)
    %dma_start3A_68 = arith.constant 0 : i32
    %dma_start3A_69 = arith.constant 0 : i32
    %dma_start3A_70 = tpu.memref_slice %arg10[%dma_start3A_68, %dma_start3A_69] : memref<32x1024xf32, #tpu.memory_space<vmem>> -> memref<8x1024xf32, #tpu.memory_space<vmem>>
    %dma_start3A_71 = arith.constant 0 : i32
    %dma_start3A_72 = tpu.memref_slice %arg7[%dma_start3A_71] : memref<32xi32, #tpu.memory_space<vmem>> -> memref<8xi32, #tpu.memory_space<vmem>>
    %dma_start3A_73 = arith.constant 0 : i32
    %dma_start3A_74 = arith.constant 0 : i32
    %dma_start3A_75 = tpu.memref_slice %arg2[%dma_start3A_73, %dma_start3A_74] : memref<288x1024xf32, #tpu.memory_space<hbm>> -> memref<288x1024xf32, #tpu.memory_space<hbm>>
    tpu.enqueue_indirect_dma source(%dma_start3A_75 : memref<288x1024xf32, #tpu.memory_space<hbm>>) target(%dma_start3A_70 : memref<8x1024xf32, #tpu.memory_space<vmem>>) offsets(%dma_start3A_72 : memref<8xi32, #tpu.memory_space<vmem>>) semaphore(%arg12 : memref<!tpu.dma_semaphore, #tpu.memory_space<semaphore_mem>>)
    %dma_start3A_76 = arith.constant 8 : i32
    %dma_start3A_77 = arith.constant 0 : i32
    %dma_start3A_78 = tpu.memref_slice %arg9[%dma_start3A_76, %dma_start3A_77] : memref<32x1024xf32, #tpu.memory_space<vmem>> -> memref<8x1024xf32, #tpu.memory_space<vmem>>
    %dma_start3A_79 = arith.constant 8 : i32
    %dma_start3A_80 = tpu.memref_slice %arg6[%dma_start3A_79] : memref<32xi32, #tpu.memory_space<vmem>> -> memref<8xi32, #tpu.memory_space<vmem>>
    %dma_start3A_81 = arith.constant 0 : i32
    %dma_start3A_82 = arith.constant 0 : i32
    %dma_start3A_83 = tpu.memref_slice %arg2[%dma_start3A_81, %dma_start3A_82] : memref<288x1024xf32, #tpu.memory_space<hbm>> -> memref<288x1024xf32, #tpu.memory_space<hbm>>
    tpu.enqueue_indirect_dma source(%dma_start3A_83 : memref<288x1024xf32, #tpu.memory_space<hbm>>) target(%dma_start3A_78 : memref<8x1024xf32, #tpu.memory_space<vmem>>) offsets(%dma_start3A_80 : memref<8xi32, #tpu.memory_space<vmem>>) semaphore(%arg13 : memref<!tpu.dma_semaphore, #tpu.memory_space<semaphore_mem>>)
    %dma_start3A_84 = arith.constant 8 : i32
    %dma_start3A_85 = arith.constant 0 : i32
    %dma_start3A_86 = tpu.memref_slice %arg10[%dma_start3A_84, %dma_start3A_85] : memref<32x1024xf32, #tpu.memory_space<vmem>> -> memref<8x1024xf32, #tpu.memory_space<vmem>>
    %dma_start3A_87 = arith.constant 8 : i32
    %dma_start3A_88 = tpu.memref_slice %arg7[%dma_start3A_87] : memref<32xi32, #tpu.memory_space<vmem>> -> memref<8xi32, #tpu.memory_space<vmem>>
    %dma_start3A_89 = arith.constant 0 : i32
    %dma_start3A_90 = arith.constant 0 : i32
    %dma_start3A_91 = tpu.memref_slice %arg2[%dma_start3A_89, %dma_start3A_90] : memref<288x1024xf32, #tpu.memory_space<hbm>> -> memref<288x1024xf32, #tpu.memory_space<hbm>>
    tpu.enqueue_indirect_dma source(%dma_start3A_91 : memref<288x1024xf32, #tpu.memory_space<hbm>>) target(%dma_start3A_86 : memref<8x1024xf32, #tpu.memory_space<vmem>>) offsets(%dma_start3A_88 : memref<8xi32, #tpu.memory_space<vmem>>) semaphore(%arg13 : memref<!tpu.dma_semaphore, #tpu.memory_space<semaphore_mem>>)
    %dma_start3A_92 = arith.constant 16 : i32
    %dma_start3A_93 = arith.constant 0 : i32
    %dma_start3A_94 = tpu.memref_slice %arg9[%dma_start3A_92, %dma_start3A_93] : memref<32x1024xf32, #tpu.memory_space<vmem>> -> memref<8x1024xf32, #tpu.memory_space<vmem>>
    %dma_start3A_95 = arith.constant 16 : i32
    %dma_start3A_96 = tpu.memref_slice %arg6[%dma_start3A_95] : memref<32xi32, #tpu.memory_space<vmem>> -> memref<8xi32, #tpu.memory_space<vmem>>
    %dma_start3A_97 = arith.constant 0 : i32
    %dma_start3A_98 = arith.constant 0 : i32
    %dma_start3A_99 = tpu.memref_slice %arg2[%dma_start3A_97, %dma_start3A_98] : memref<288x1024xf32, #tpu.memory_space<hbm>> -> memref<288x1024xf32, #tpu.memory_space<hbm>>
    tpu.enqueue_indirect_dma source(%dma_start3A_99 : memref<288x1024xf32, #tpu.memory_space<hbm>>) target(%dma_start3A_94 : memref<8x1024xf32, #tpu.memory_space<vmem>>) offsets(%dma_start3A_96 : memref<8xi32, #tpu.memory_space<vmem>>) semaphore(%arg14 : memref<!tpu.dma_semaphore, #tpu.memory_space<semaphore_mem>>)
    %dma_start3A_100 = arith.constant 16 : i32
    %dma_start3A_101 = arith.constant 0 : i32
    %dma_start3A_102 = tpu.memref_slice %arg10[%dma_start3A_100, %dma_start3A_101] : memref<32x1024xf32, #tpu.memory_space<vmem>> -> memref<8x1024xf32, #tpu.memory_space<vmem>>
    %dma_start3A_103 = arith.constant 16 : i32
    %dma_start3A_104 = tpu.memref_slice %arg7[%dma_start3A_103] : memref<32xi32, #tpu.memory_space<vmem>> -> memref<8xi32, #tpu.memory_space<vmem>>
    %dma_start3A_105 = arith.constant 0 : i32
    %dma_start3A_106 = arith.constant 0 : i32
    %dma_start3A_107 = tpu.memref_slice %arg2[%dma_start3A_105, %dma_start3A_106] : memref<288x1024xf32, #tpu.memory_space<hbm>> -> memref<288x1024xf32, #tpu.memory_space<hbm>>
    tpu.enqueue_indirect_dma source(%dma_start3A_107 : memref<288x1024xf32, #tpu.memory_space<hbm>>) target(%dma_start3A_102 : memref<8x1024xf32, #tpu.memory_space<vmem>>) offsets(%dma_start3A_104 : memref<8xi32, #tpu.memory_space<vmem>>) semaphore(%arg14 : memref<!tpu.dma_semaphore, #tpu.memory_space<semaphore_mem>>)
    %dma_start3A_108 = arith.constant 24 : i32
    %dma_start3A_109 = arith.constant 0 : i32
    %dma_start3A_110 = tpu.memref_slice %arg9[%dma_start3A_108, %dma_start3A_109] : memref<32x1024xf32, #tpu.memory_space<vmem>> -> memref<8x1024xf32, #tpu.memory_space<vmem>>
    %dma_start3A_111 = arith.constant 24 : i32
    %dma_start3A_112 = tpu.memref_slice %arg6[%dma_start3A_111] : memref<32xi32, #tpu.memory_space<vmem>> -> memref<8xi32, #tpu.memory_space<vmem>>
    %dma_start3A_113 = arith.constant 0 : i32
    %dma_start3A_114 = arith.constant 0 : i32
    %dma_start3A_115 = tpu.memref_slice %arg2[%dma_start3A_113, %dma_start3A_114] : memref<288x1024xf32, #tpu.memory_space<hbm>> -> memref<288x1024xf32, #tpu.memory_space<hbm>>
    tpu.enqueue_indirect_dma source(%dma_start3A_115 : memref<288x1024xf32, #tpu.memory_space<hbm>>) target(%dma_start3A_110 : memref<8x1024xf32, #tpu.memory_space<vmem>>) offsets(%dma_start3A_112 : memref<8xi32, #tpu.memory_space<vmem>>) semaphore(%arg15 : memref<!tpu.dma_semaphore, #tpu.memory_space<semaphore_mem>>)
    %dma_start3A_116 = arith.constant 24 : i32
    %dma_start3A_117 = arith.constant 0 : i32
    %dma_start3A_118 = tpu.memref_slice %arg10[%dma_start3A_116, %dma_start3A_117] : memref<32x1024xf32, #tpu.memory_space<vmem>> -> memref<8x1024xf32, #tpu.memory_space<vmem>>
    %dma_start3A_119 = arith.constant 24 : i32
    %dma_start3A_120 = tpu.memref_slice %arg7[%dma_start3A_119] : memref<32xi32, #tpu.memory_space<vmem>> -> memref<8xi32, #tpu.memory_space<vmem>>
    %dma_start3A_121 = arith.constant 0 : i32
    %dma_start3A_122 = arith.constant 0 : i32
    %dma_start3A_123 = tpu.memref_slice %arg2[%dma_start3A_121, %dma_start3A_122] : memref<288x1024xf32, #tpu.memory_space<hbm>> -> memref<288x1024xf32, #tpu.memory_space<hbm>>
    tpu.enqueue_indirect_dma source(%dma_start3A_123 : memref<288x1024xf32, #tpu.memory_space<hbm>>) target(%dma_start3A_118 : memref<8x1024xf32, #tpu.memory_space<vmem>>) offsets(%dma_start3A_120 : memref<8xi32, #tpu.memory_space<vmem>>) semaphore(%arg15 : memref<!tpu.dma_semaphore, #tpu.memory_space<semaphore_mem>>)
    %dma_wait3A = arith.constant 0 : i32
    %dma_wait3A_124 = arith.constant 0 : i32
    %dma_wait3A_125 = tpu.memref_slice %arg9[%dma_wait3A, %dma_wait3A_124] : memref<32x1024xf32, #tpu.memory_space<vmem>> -> memref<8x1024xf32, #tpu.memory_space<vmem>>
    %dma_wait3A_126 = arith.constant 0 : i32
    %dma_wait3A_127 = tpu.memref_slice %arg6[%dma_wait3A_126] : memref<32xi32, #tpu.memory_space<vmem>> -> memref<8xi32, #tpu.memory_space<vmem>>
    %dma_wait3A_128 = arith.constant 0 : i32
    %dma_wait3A_129 = arith.constant 0 : i32
    %dma_wait3A_130 = tpu.memref_slice %arg2[%dma_wait3A_128, %dma_wait3A_129] : memref<288x1024xf32, #tpu.memory_space<hbm>> -> memref<288x1024xf32, #tpu.memory_space<hbm>>
    tpu.wait_indirect_dma semaphore(%arg12 : memref<!tpu.dma_semaphore, #tpu.memory_space<semaphore_mem>>) src(%dma_wait3A_130 : memref<288x1024xf32, #tpu.memory_space<hbm>>) dst(%dma_wait3A_125 : memref<8x1024xf32, #tpu.memory_space<vmem>>)
    %dma_wait3A_131 = arith.constant 0 : i32
    %dma_wait3A_132 = arith.constant 0 : i32
    %dma_wait3A_133 = tpu.memref_slice %arg10[%dma_wait3A_131, %dma_wait3A_132] : memref<32x1024xf32, #tpu.memory_space<vmem>> -> memref<8x1024xf32, #tpu.memory_space<vmem>>
    %dma_wait3A_134 = arith.constant 0 : i32
    %dma_wait3A_135 = tpu.memref_slice %arg7[%dma_wait3A_134] : memref<32xi32, #tpu.memory_space<vmem>> -> memref<8xi32, #tpu.memory_space<vmem>>
    %dma_wait3A_136 = arith.constant 0 : i32
    %dma_wait3A_137 = arith.constant 0 : i32
    %dma_wait3A_138 = tpu.memref_slice %arg2[%dma_wait3A_136, %dma_wait3A_137] : memref<288x1024xf32, #tpu.memory_space<hbm>> -> memref<288x1024xf32, #tpu.memory_space<hbm>>
    tpu.wait_indirect_dma semaphore(%arg12 : memref<!tpu.dma_semaphore, #tpu.memory_space<semaphore_mem>>) src(%dma_wait3A_138 : memref<288x1024xf32, #tpu.memory_space<hbm>>) dst(%dma_wait3A_133 : memref<8x1024xf32, #tpu.memory_space<vmem>>)
    %parallel_loop3A = arith.constant 0 : i32
    %parallel_loop3A_139 = arith.constant 8 : i32
    %parallel_loop3A_140 = arith.constant 1 : i32
    scf.for %parallel_loop3A_286 = %parallel_loop3A to %parallel_loop3A_139 step %parallel_loop3A_140  : i32 {
      %parallel_loop3A_287 = arith.index_cast %parallel_loop3A_286 : i32 to index
      %parallel_loop3A_288 = arith.constant 0 : index
      %parallel_loop3A_289 = tpu.vector_load %arg8[%parallel_loop3A_287, %parallel_loop3A_288] {strides = array<i32>} : memref<32x16xf32, #tpu.memory_space<vmem>>, vector<1x16xf32>,
      %parallel_loop3A_290 = vector.shape_cast %parallel_loop3A_289 : vector<1x16xf32> to vector<16xf32>
      %parallel_loop3A_291 = arith.constant 0 : i32
      %parallel_loop3A_292 = arith.constant 64 : i32
      %parallel_loop3A_293 = arith.constant 1 : i32
      scf.for %parallel_loop3A_294 = %parallel_loop3A_291 to %parallel_loop3A_292 step %parallel_loop3A_293  : i32 {
        %parallel_loop3A_295 = arith.constant 16 : i32
        %parallel_loop3A_296 = arith.muli %parallel_loop3A_294, %parallel_loop3A_295 : i32
        %parallel_loop3A_297 = arith.index_cast %parallel_loop3A_286 : i32 to index
        %parallel_loop3A_298 = arith.index_cast %parallel_loop3A_296 : i32 to index
        %parallel_loop3A_299 = tpu.vector_load %arg9[%parallel_loop3A_297, %parallel_loop3A_298] {strides = array<i32>} : memref<32x1024xf32, #tpu.memory_space<vmem>>, vector<1x16xf32>,
        %parallel_loop3A_300 = vector.shape_cast %parallel_loop3A_299 : vector<1x16xf32> to vector<16xf32>
        %parallel_loop3A_301 = arith.index_cast %parallel_loop3A_286 : i32 to index
        %parallel_loop3A_302 = arith.index_cast %parallel_loop3A_296 : i32 to index
        %parallel_loop3A_303 = tpu.vector_load %arg10[%parallel_loop3A_301, %parallel_loop3A_302] {strides = array<i32>} : memref<32x1024xf32, #tpu.memory_space<vmem>>, vector<1x16xf32>,
        %parallel_loop3A_304 = vector.shape_cast %parallel_loop3A_303 : vector<1x16xf32> to vector<16xf32>
        %parallel_loop3A_305 = arith.subf %parallel_loop3A_300, %parallel_loop3A_304 : vector<16xf32>
        %parallel_loop3A_306 = arith.mulf %parallel_loop3A_305, %parallel_loop3A_290 : vector<16xf32>
        %parallel_loop3A_307 = arith.index_cast %parallel_loop3A_286 : i32 to index
        %parallel_loop3A_308 = arith.index_cast %parallel_loop3A_296 : i32 to index
        %parallel_loop3A_309 = tpu.vector_load %arg11[%parallel_loop3A_307, %parallel_loop3A_308] {strides = array<i32>} : memref<32x1024xf32, #tpu.memory_space<vmem>>, vector<1x16xf32>,
        %parallel_loop3A_310 = vector.shape_cast %parallel_loop3A_309 : vector<1x16xf32> to vector<16xf32>
        %parallel_loop3A_311 = vector.shape_cast %parallel_loop3A_306 : vector<16xf32> to vector<1x16xf32>
        tpu.vector_store %arg11[%parallel_loop3A_307, %parallel_loop3A_308], %parallel_loop3A_311 {strides = array<i32>} : memref<32x1024xf32, #tpu.memory_space<vmem>>, vector<1x16xf32>,
      } {sc.loop_unroll_factor = 16 : i64, sc.parallel_access}
    } {sc.loop_unroll_factor = 1 : i64, sc.parallel_access}
    %add3A_141 = arith.constant 0 : i32
    %add3A_142 = arith.addi %mul3A_2, %add3A_141 : i32
    %dma_start3A_143 = arith.constant 0 : i32
    %dma_start3A_144 = arith.constant 0 : i32
    %dma_start3A_145 = tpu.memref_slice %arg11[%dma_start3A_143, %dma_start3A_144] : memref<32x1024xf32, #tpu.memory_space<vmem>> -> memref<8x1024xf32, #tpu.memory_space<vmem>>
    %dma_start3A_146 = arith.constant 0 : i32
    %dma_start3A_147 = tpu.memref_slice %arg5[%add3A_142, %dma_start3A_146] : memref<1024x1024xf32, #tpu.memory_space<hbm>> -> memref<8x1024xf32, #tpu.memory_space<hbm>>
    %dma_start3A_148 = arith.constant 0 : i32
    %dma_start3A_149 = tpu.memref_slice %arg5[%add3A_142, %dma_start3A_148] : memref<1024x1024xf32, #tpu.memory_space<hbm>> -> memref<8x1024xf32, #tpu.memory_space<hbm>>
    %dma_start3A_150 = arith.constant 0 : i32
    %dma_start3A_151 = arith.constant 0 : i32
    %dma_start3A_152 = tpu.memref_slice %arg11[%dma_start3A_150, %dma_start3A_151] : memref<32x1024xf32, #tpu.memory_space<vmem>> -> memref<8x1024xf32, #tpu.memory_space<vmem>>
    tpu.enqueue_dma source(%dma_start3A_152 : memref<8x1024xf32, #tpu.memory_space<vmem>>) target(%dma_start3A_149 : memref<8x1024xf32, #tpu.memory_space<hbm>>) target_semaphore(%arg16 : memref<!tpu.dma_semaphore, #tpu.memory_space<semaphore_mem>>)
    %dma_wait3A_153 = arith.constant 8 : i32
    %dma_wait3A_154 = arith.constant 0 : i32
    %dma_wait3A_155 = tpu.memref_slice %arg9[%dma_wait3A_153, %dma_wait3A_154] : memref<32x1024xf32, #tpu.memory_space<vmem>> -> memref<8x1024xf32, #tpu.memory_space<vmem>>
    %dma_wait3A_156 = arith.constant 8 : i32
    %dma_wait3A_157 = tpu.memref_slice %arg6[%dma_wait3A_156] : memref<32xi32, #tpu.memory_space<vmem>> -> memref<8xi32, #tpu.memory_space<vmem>>
    %dma_wait3A_158 = arith.constant 0 : i32
    %dma_wait3A_159 = arith.constant 0 : i32
    %dma_wait3A_160 = tpu.memref_slice %arg2[%dma_wait3A_158, %dma_wait3A_159] : memref<288x1024xf32, #tpu.memory_space<hbm>> -> memref<288x1024xf32, #tpu.memory_space<hbm>>
    tpu.wait_indirect_dma semaphore(%arg13 : memref<!tpu.dma_semaphore, #tpu.memory_space<semaphore_mem>>) src(%dma_wait3A_160 : memref<288x1024xf32, #tpu.memory_space<hbm>>) dst(%dma_wait3A_155 : memref<8x1024xf32, #tpu.memory_space<vmem>>)
    %dma_wait3A_161 = arith.constant 8 : i32
    %dma_wait3A_162 = arith.constant 0 : i32
    %dma_wait3A_163 = tpu.memref_slice %arg10[%dma_wait3A_161, %dma_wait3A_162] : memref<32x1024xf32, #tpu.memory_space<vmem>> -> memref<8x1024xf32, #tpu.memory_space<vmem>>
    %dma_wait3A_164 = arith.constant 8 : i32
    %dma_wait3A_165 = tpu.memref_slice %arg7[%dma_wait3A_164] : memref<32xi32, #tpu.memory_space<vmem>> -> memref<8xi32, #tpu.memory_space<vmem>>
    %dma_wait3A_166 = arith.constant 0 : i32
    %dma_wait3A_167 = arith.constant 0 : i32
    %dma_wait3A_168 = tpu.memref_slice %arg2[%dma_wait3A_166, %dma_wait3A_167] : memref<288x1024xf32, #tpu.memory_space<hbm>> -> memref<288x1024xf32, #tpu.memory_space<hbm>>
    tpu.wait_indirect_dma semaphore(%arg13 : memref<!tpu.dma_semaphore, #tpu.memory_space<semaphore_mem>>) src(%dma_wait3A_168 : memref<288x1024xf32, #tpu.memory_space<hbm>>) dst(%dma_wait3A_163 : memref<8x1024xf32, #tpu.memory_space<vmem>>)
    %parallel_loop3A_169 = arith.constant 8 : i32
    %parallel_loop3A_170 = arith.constant 16 : i32
    %parallel_loop3A_171 = arith.constant 1 : i32
    scf.for %parallel_loop3A_286 = %parallel_loop3A_169 to %parallel_loop3A_170 step %parallel_loop3A_171  : i32 {
      %parallel_loop3A_287 = arith.index_cast %parallel_loop3A_286 : i32 to index
      %parallel_loop3A_288 = arith.constant 0 : index
      %parallel_loop3A_289 = tpu.vector_load %arg8[%parallel_loop3A_287, %parallel_loop3A_288] {strides = array<i32>} : memref<32x16xf32, #tpu.memory_space<vmem>>, vector<1x16xf32>,
      %parallel_loop3A_290 = vector.shape_cast %parallel_loop3A_289 : vector<1x16xf32> to vector<16xf32>
      %parallel_loop3A_291 = arith.constant 0 : i32
      %parallel_loop3A_292 = arith.constant 64 : i32
      %parallel_loop3A_293 = arith.constant 1 : i32
      scf.for %parallel_loop3A_294 = %parallel_loop3A_291 to %parallel_loop3A_292 step %parallel_loop3A_293  : i32 {
        %parallel_loop3A_295 = arith.constant 16 : i32
        %parallel_loop3A_296 = arith.muli %parallel_loop3A_294, %parallel_loop3A_295 : i32
        %parallel_loop3A_297 = arith.index_cast %parallel_loop3A_286 : i32 to index
        %parallel_loop3A_298 = arith.index_cast %parallel_loop3A_296 : i32 to index
        %parallel_loop3A_299 = tpu.vector_load %arg9[%parallel_loop3A_297, %parallel_loop3A_298] {strides = array<i32>} : memref<32x1024xf32, #tpu.memory_space<vmem>>, vector<1x16xf32>,
        %parallel_loop3A_300 = vector.shape_cast %parallel_loop3A_299 : vector<1x16xf32> to vector<16xf32>
        %parallel_loop3A_301 = arith.index_cast %parallel_loop3A_286 : i32 to index
        %parallel_loop3A_302 = arith.index_cast %parallel_loop3A_296 : i32 to index
        %parallel_loop3A_303 = tpu.vector_load %arg10[%parallel_loop3A_301, %parallel_loop3A_302] {strides = array<i32>} : memref<32x1024xf32, #tpu.memory_space<vmem>>, vector<1x16xf32>,
        %parallel_loop3A_304 = vector.shape_cast %parallel_loop3A_303 : vector<1x16xf32> to vector<16xf32>
        %parallel_loop3A_305 = arith.subf %parallel_loop3A_300, %parallel_loop3A_304 : vector<16xf32>
        %parallel_loop3A_306 = arith.mulf %parallel_loop3A_305, %parallel_loop3A_290 : vector<16xf32>
        %parallel_loop3A_307 = arith.index_cast %parallel_loop3A_286 : i32 to index
        %parallel_loop3A_308 = arith.index_cast %parallel_loop3A_296 : i32 to index
        %parallel_loop3A_309 = tpu.vector_load %arg11[%parallel_loop3A_307, %parallel_loop3A_308] {strides = array<i32>} : memref<32x1024xf32, #tpu.memory_space<vmem>>, vector<1x16xf32>,
        %parallel_loop3A_310 = vector.shape_cast %parallel_loop3A_309 : vector<1x16xf32> to vector<16xf32>
        %parallel_loop3A_311 = vector.shape_cast %parallel_loop3A_306 : vector<16xf32> to vector<1x16xf32>
        tpu.vector_store %arg11[%parallel_loop3A_307, %parallel_loop3A_308], %parallel_loop3A_311 {strides = array<i32>} : memref<32x1024xf32, #tpu.memory_space<vmem>>, vector<1x16xf32>,
      } {sc.loop_unroll_factor = 16 : i64, sc.parallel_access}
    } {sc.loop_unroll_factor = 1 : i64, sc.parallel_access}
    %add3A_172 = arith.constant 8 : i32
    %add3A_173 = arith.addi %mul3A_2, %add3A_172 : i32
    %dma_start3A_174 = arith.constant 8 : i32
    %dma_start3A_175 = arith.constant 0 : i32
    %dma_start3A_176 = tpu.memref_slice %arg11[%dma_start3A_174, %dma_start3A_175] : memref<32x1024xf32, #tpu.memory_space<vmem>> -> memref<8x1024xf32, #tpu.memory_space<vmem>>
    %dma_start3A_177 = arith.constant 0 : i32
    %dma_start3A_178 = tpu.memref_slice %arg5[%add3A_173, %dma_start3A_177] : memref<1024x1024xf32, #tpu.memory_space<hbm>> -> memref<8x1024xf32, #tpu.memory_space<hbm>>
    %dma_start3A_179 = arith.constant 0 : i32
    %dma_start3A_180 = tpu.memref_slice %arg5[%add3A_173, %dma_start3A_179] : memref<1024x1024xf32, #tpu.memory_space<hbm>> -> memref<8x1024xf32, #tpu.memory_space<hbm>>
    %dma_start3A_181 = arith.constant 8 : i32
    %dma_start3A_182 = arith.constant 0 : i32
    %dma_start3A_183 = tpu.memref_slice %arg11[%dma_start3A_181, %dma_start3A_182] : memref<32x1024xf32, #tpu.memory_space<vmem>> -> memref<8x1024xf32, #tpu.memory_space<vmem>>
    tpu.enqueue_dma source(%dma_start3A_183 : memref<8x1024xf32, #tpu.memory_space<vmem>>) target(%dma_start3A_180 : memref<8x1024xf32, #tpu.memory_space<hbm>>) target_semaphore(%arg16 : memref<!tpu.dma_semaphore, #tpu.memory_space<semaphore_mem>>)
    %dma_wait3A_184 = arith.constant 16 : i32
    %dma_wait3A_185 = arith.constant 0 : i32
    %dma_wait3A_186 = tpu.memref_slice %arg9[%dma_wait3A_184, %dma_wait3A_185] : memref<32x1024xf32, #tpu.memory_space<vmem>> -> memref<8x1024xf32, #tpu.memory_space<vmem>>
    %dma_wait3A_187 = arith.constant 16 : i32
    %dma_wait3A_188 = tpu.memref_slice %arg6[%dma_wait3A_187] : memref<32xi32, #tpu.memory_space<vmem>> -> memref<8xi32, #tpu.memory_space<vmem>>
    %dma_wait3A_189 = arith.constant 0 : i32
    %dma_wait3A_190 = arith.constant 0 : i32
    %dma_wait3A_191 = tpu.memref_slice %arg2[%dma_wait3A_189, %dma_wait3A_190] : memref<288x1024xf32, #tpu.memory_space<hbm>> -> memref<288x1024xf32, #tpu.memory_space<hbm>>
    tpu.wait_indirect_dma semaphore(%arg14 : memref<!tpu.dma_semaphore, #tpu.memory_space<semaphore_mem>>) src(%dma_wait3A_191 : memref<288x1024xf32, #tpu.memory_space<hbm>>) dst(%dma_wait3A_186 : memref<8x1024xf32, #tpu.memory_space<vmem>>)
    %dma_wait3A_192 = arith.constant 16 : i32
    %dma_wait3A_193 = arith.constant 0 : i32
    %dma_wait3A_194 = tpu.memref_slice %arg10[%dma_wait3A_192, %dma_wait3A_193] : memref<32x1024xf32, #tpu.memory_space<vmem>> -> memref<8x1024xf32, #tpu.memory_space<vmem>>
    %dma_wait3A_195 = arith.constant 16 : i32
    %dma_wait3A_196 = tpu.memref_slice %arg7[%dma_wait3A_195] : memref<32xi32, #tpu.memory_space<vmem>> -> memref<8xi32, #tpu.memory_space<vmem>>
    %dma_wait3A_197 = arith.constant 0 : i32
    %dma_wait3A_198 = arith.constant 0 : i32
    %dma_wait3A_199 = tpu.memref_slice %arg2[%dma_wait3A_197, %dma_wait3A_198] : memref<288x1024xf32, #tpu.memory_space<hbm>> -> memref<288x1024xf32, #tpu.memory_space<hbm>>
    tpu.wait_indirect_dma semaphore(%arg14 : memref<!tpu.dma_semaphore, #tpu.memory_space<semaphore_mem>>) src(%dma_wait3A_199 : memref<288x1024xf32, #tpu.memory_space<hbm>>) dst(%dma_wait3A_194 : memref<8x1024xf32, #tpu.memory_space<vmem>>)
    %parallel_loop3A_200 = arith.constant 16 : i32
    %parallel_loop3A_201 = arith.constant 24 : i32
    %parallel_loop3A_202 = arith.constant 1 : i32
    scf.for %parallel_loop3A_286 = %parallel_loop3A_200 to %parallel_loop3A_201 step %parallel_loop3A_202  : i32 {
      %parallel_loop3A_287 = arith.index_cast %parallel_loop3A_286 : i32 to index
      %parallel_loop3A_288 = arith.constant 0 : index
      %parallel_loop3A_289 = tpu.vector_load %arg8[%parallel_loop3A_287, %parallel_loop3A_288] {strides = array<i32>} : memref<32x16xf32, #tpu.memory_space<vmem>>, vector<1x16xf32>,
      %parallel_loop3A_290 = vector.shape_cast %parallel_loop3A_289 : vector<1x16xf32> to vector<16xf32>
      %parallel_loop3A_291 = arith.constant 0 : i32
      %parallel_loop3A_292 = arith.constant 64 : i32
      %parallel_loop3A_293 = arith.constant 1 : i32
      scf.for %parallel_loop3A_294 = %parallel_loop3A_291 to %parallel_loop3A_292 step %parallel_loop3A_293  : i32 {
        %parallel_loop3A_295 = arith.constant 16 : i32
        %parallel_loop3A_296 = arith.muli %parallel_loop3A_294, %parallel_loop3A_295 : i32
        %parallel_loop3A_297 = arith.index_cast %parallel_loop3A_286 : i32 to index
        %parallel_loop3A_298 = arith.index_cast %parallel_loop3A_296 : i32 to index
        %parallel_loop3A_299 = tpu.vector_load %arg9[%parallel_loop3A_297, %parallel_loop3A_298] {strides = array<i32>} : memref<32x1024xf32, #tpu.memory_space<vmem>>, vector<1x16xf32>,
        %parallel_loop3A_300 = vector.shape_cast %parallel_loop3A_299 : vector<1x16xf32> to vector<16xf32>
        %parallel_loop3A_301 = arith.index_cast %parallel_loop3A_286 : i32 to index
        %parallel_loop3A_302 = arith.index_cast %parallel_loop3A_296 : i32 to index
        %parallel_loop3A_303 = tpu.vector_load %arg10[%parallel_loop3A_301, %parallel_loop3A_302] {strides = array<i32>} : memref<32x1024xf32, #tpu.memory_space<vmem>>, vector<1x16xf32>,
        %parallel_loop3A_304 = vector.shape_cast %parallel_loop3A_303 : vector<1x16xf32> to vector<16xf32>
        %parallel_loop3A_305 = arith.subf %parallel_loop3A_300, %parallel_loop3A_304 : vector<16xf32>
        %parallel_loop3A_306 = arith.mulf %parallel_loop3A_305, %parallel_loop3A_290 : vector<16xf32>
        %parallel_loop3A_307 = arith.index_cast %parallel_loop3A_286 : i32 to index
        %parallel_loop3A_308 = arith.index_cast %parallel_loop3A_296 : i32 to index
        %parallel_loop3A_309 = tpu.vector_load %arg11[%parallel_loop3A_307, %parallel_loop3A_308] {strides = array<i32>} : memref<32x1024xf32, #tpu.memory_space<vmem>>, vector<1x16xf32>,
        %parallel_loop3A_310 = vector.shape_cast %parallel_loop3A_309 : vector<1x16xf32> to vector<16xf32>
        %parallel_loop3A_311 = vector.shape_cast %parallel_loop3A_306 : vector<16xf32> to vector<1x16xf32>
        tpu.vector_store %arg11[%parallel_loop3A_307, %parallel_loop3A_308], %parallel_loop3A_311 {strides = array<i32>} : memref<32x1024xf32, #tpu.memory_space<vmem>>, vector<1x16xf32>,
      } {sc.loop_unroll_factor = 16 : i64, sc.parallel_access}
    } {sc.loop_unroll_factor = 1 : i64, sc.parallel_access}
    %add3A_203 = arith.constant 16 : i32
    %add3A_204 = arith.addi %mul3A_2, %add3A_203 : i32
    %dma_start3A_205 = arith.constant 16 : i32
    %dma_start3A_206 = arith.constant 0 : i32
    %dma_start3A_207 = tpu.memref_slice %arg11[%dma_start3A_205, %dma_start3A_206] : memref<32x1024xf32, #tpu.memory_space<vmem>> -> memref<8x1024xf32, #tpu.memory_space<vmem>>
    %dma_start3A_208 = arith.constant 0 : i32
    %dma_start3A_209 = tpu.memref_slice %arg5[%add3A_204, %dma_start3A_208] : memref<1024x1024xf32, #tpu.memory_space<hbm>> -> memref<8x1024xf32, #tpu.memory_space<hbm>>
    %dma_start3A_210 = arith.constant 0 : i32
    %dma_start3A_211 = tpu.memref_slice %arg5[%add3A_204, %dma_start3A_210] : memref<1024x1024xf32, #tpu.memory_space<hbm>> -> memref<8x1024xf32, #tpu.memory_space<hbm>>
    %dma_start3A_212 = arith.constant 16 : i32
    %dma_start3A_213 = arith.constant 0 : i32
    %dma_start3A_214 = tpu.memref_slice %arg11[%dma_start3A_212, %dma_start3A_213] : memref<32x1024xf32, #tpu.memory_space<vmem>> -> memref<8x1024xf32, #tpu.memory_space<vmem>>
    tpu.enqueue_dma source(%dma_start3A_214 : memref<8x1024xf32, #tpu.memory_space<vmem>>) target(%dma_start3A_211 : memref<8x1024xf32, #tpu.memory_space<hbm>>) target_semaphore(%arg16 : memref<!tpu.dma_semaphore, #tpu.memory_space<semaphore_mem>>)
    %dma_wait3A_215 = arith.constant 24 : i32
    %dma_wait3A_216 = arith.constant 0 : i32
    %dma_wait3A_217 = tpu.memref_slice %arg9[%dma_wait3A_215, %dma_wait3A_216] : memref<32x1024xf32, #tpu.memory_space<vmem>> -> memref<8x1024xf32, #tpu.memory_space<vmem>>
    %dma_wait3A_218 = arith.constant 24 : i32
    %dma_wait3A_219 = tpu.memref_slice %arg6[%dma_wait3A_218] : memref<32xi32, #tpu.memory_space<vmem>> -> memref<8xi32, #tpu.memory_space<vmem>>
    %dma_wait3A_220 = arith.constant 0 : i32
    %dma_wait3A_221 = arith.constant 0 : i32
    %dma_wait3A_222 = tpu.memref_slice %arg2[%dma_wait3A_220, %dma_wait3A_221] : memref<288x1024xf32, #tpu.memory_space<hbm>> -> memref<288x1024xf32, #tpu.memory_space<hbm>>
    tpu.wait_indirect_dma semaphore(%arg15 : memref<!tpu.dma_semaphore, #tpu.memory_space<semaphore_mem>>) src(%dma_wait3A_222 : memref<288x1024xf32, #tpu.memory_space<hbm>>) dst(%dma_wait3A_217 : memref<8x1024xf32, #tpu.memory_space<vmem>>)
    %dma_wait3A_223 = arith.constant 24 : i32
    %dma_wait3A_224 = arith.constant 0 : i32
    %dma_wait3A_225 = tpu.memref_slice %arg10[%dma_wait3A_223, %dma_wait3A_224] : memref<32x1024xf32, #tpu.memory_space<vmem>> -> memref<8x1024xf32, #tpu.memory_space<vmem>>
    %dma_wait3A_226 = arith.constant 24 : i32
    %dma_wait3A_227 = tpu.memref_slice %arg7[%dma_wait3A_226] : memref<32xi32, #tpu.memory_space<vmem>> -> memref<8xi32, #tpu.memory_space<vmem>>
    %dma_wait3A_228 = arith.constant 0 : i32
    %dma_wait3A_229 = arith.constant 0 : i32
    %dma_wait3A_230 = tpu.memref_slice %arg2[%dma_wait3A_228, %dma_wait3A_229] : memref<288x1024xf32, #tpu.memory_space<hbm>> -> memref<288x1024xf32, #tpu.memory_space<hbm>>
    tpu.wait_indirect_dma semaphore(%arg15 : memref<!tpu.dma_semaphore, #tpu.memory_space<semaphore_mem>>) src(%dma_wait3A_230 : memref<288x1024xf32, #tpu.memory_space<hbm>>) dst(%dma_wait3A_225 : memref<8x1024xf32, #tpu.memory_space<vmem>>)
    %parallel_loop3A_231 = arith.constant 24 : i32
    %parallel_loop3A_232 = arith.constant 32 : i32
    %parallel_loop3A_233 = arith.constant 1 : i32
    scf.for %parallel_loop3A_286 = %parallel_loop3A_231 to %parallel_loop3A_232 step %parallel_loop3A_233  : i32 {
      %parallel_loop3A_287 = arith.index_cast %parallel_loop3A_286 : i32 to index
      %parallel_loop3A_288 = arith.constant 0 : index
      %parallel_loop3A_289 = tpu.vector_load %arg8[%parallel_loop3A_287, %parallel_loop3A_288] {strides = array<i32>} : memref<32x16xf32, #tpu.memory_space<vmem>>, vector<1x16xf32>,
      %parallel_loop3A_290 = vector.shape_cast %parallel_loop3A_289 : vector<1x16xf32> to vector<16xf32>
      %parallel_loop3A_291 = arith.constant 0 : i32
      %parallel_loop3A_292 = arith.constant 64 : i32
      %parallel_loop3A_293 = arith.constant 1 : i32
      scf.for %parallel_loop3A_294 = %parallel_loop3A_291 to %parallel_loop3A_292 step %parallel_loop3A_293  : i32 {
        %parallel_loop3A_295 = arith.constant 16 : i32
        %parallel_loop3A_296 = arith.muli %parallel_loop3A_294, %parallel_loop3A_295 : i32
        %parallel_loop3A_297 = arith.index_cast %parallel_loop3A_286 : i32 to index
        %parallel_loop3A_298 = arith.index_cast %parallel_loop3A_296 : i32 to index
        %parallel_loop3A_299 = tpu.vector_load %arg9[%parallel_loop3A_297, %parallel_loop3A_298] {strides = array<i32>} : memref<32x1024xf32, #tpu.memory_space<vmem>>, vector<1x16xf32>,
        %parallel_loop3A_300 = vector.shape_cast %parallel_loop3A_299 : vector<1x16xf32> to vector<16xf32>
        %parallel_loop3A_301 = arith.index_cast %parallel_loop3A_286 : i32 to index
        %parallel_loop3A_302 = arith.index_cast %parallel_loop3A_296 : i32 to index
        %parallel_loop3A_303 = tpu.vector_load %arg10[%parallel_loop3A_301, %parallel_loop3A_302] {strides = array<i32>} : memref<32x1024xf32, #tpu.memory_space<vmem>>, vector<1x16xf32>,
        %parallel_loop3A_304 = vector.shape_cast %parallel_loop3A_303 : vector<1x16xf32> to vector<16xf32>
        %parallel_loop3A_305 = arith.subf %parallel_loop3A_300, %parallel_loop3A_304 : vector<16xf32>
        %parallel_loop3A_306 = arith.mulf %parallel_loop3A_305, %parallel_loop3A_290 : vector<16xf32>
        %parallel_loop3A_307 = arith.index_cast %parallel_loop3A_286 : i32 to index
        %parallel_loop3A_308 = arith.index_cast %parallel_loop3A_296 : i32 to index
        %parallel_loop3A_309 = tpu.vector_load %arg11[%parallel_loop3A_307, %parallel_loop3A_308] {strides = array<i32>} : memref<32x1024xf32, #tpu.memory_space<vmem>>, vector<1x16xf32>,
        %parallel_loop3A_310 = vector.shape_cast %parallel_loop3A_309 : vector<1x16xf32> to vector<16xf32>
        %parallel_loop3A_311 = vector.shape_cast %parallel_loop3A_306 : vector<16xf32> to vector<1x16xf32>
        tpu.vector_store %arg11[%parallel_loop3A_307, %parallel_loop3A_308], %parallel_loop3A_311 {strides = array<i32>} : memref<32x1024xf32, #tpu.memory_space<vmem>>, vector<1x16xf32>,
      } {sc.loop_unroll_factor = 16 : i64, sc.parallel_access}
    } {sc.loop_unroll_factor = 1 : i64, sc.parallel_access}
    %add3A_234 = arith.constant 24 : i32
    %add3A_235 = arith.addi %mul3A_2, %add3A_234 : i32
    %dma_start3A_236 = arith.constant 24 : i32
    %dma_start3A_237 = arith.constant 0 : i32
    %dma_start3A_238 = tpu.memref_slice %arg11[%dma_start3A_236, %dma_start3A_237] : memref<32x1024xf32, #tpu.memory_space<vmem>> -> memref<8x1024xf32, #tpu.memory_space<vmem>>
    %dma_start3A_239 = arith.constant 0 : i32
    %dma_start3A_240 = tpu.memref_slice %arg5[%add3A_235, %dma_start3A_239] : memref<1024x1024xf32, #tpu.memory_space<hbm>> -> memref<8x1024xf32, #tpu.memory_space<hbm>>
    %dma_start3A_241 = arith.constant 0 : i32
    %dma_start3A_242 = tpu.memref_slice %arg5[%add3A_235, %dma_start3A_241] : memref<1024x1024xf32, #tpu.memory_space<hbm>> -> memref<8x1024xf32, #tpu.memory_space<hbm>>
    %dma_start3A_243 = arith.constant 24 : i32
    %dma_start3A_244 = arith.constant 0 : i32
    %dma_start3A_245 = tpu.memref_slice %arg11[%dma_start3A_243, %dma_start3A_244] : memref<32x1024xf32, #tpu.memory_space<vmem>> -> memref<8x1024xf32, #tpu.memory_space<vmem>>
    tpu.enqueue_dma source(%dma_start3A_245 : memref<8x1024xf32, #tpu.memory_space<vmem>>) target(%dma_start3A_242 : memref<8x1024xf32, #tpu.memory_space<hbm>>) target_semaphore(%arg16 : memref<!tpu.dma_semaphore, #tpu.memory_space<semaphore_mem>>)
    %dma_wait3A_246 = arith.constant 0 : i32
    %dma_wait3A_247 = arith.constant 0 : i32
    %dma_wait3A_248 = tpu.memref_slice %arg11[%dma_wait3A_246, %dma_wait3A_247] : memref<32x1024xf32, #tpu.memory_space<vmem>> -> memref<8x1024xf32, #tpu.memory_space<vmem>>
    %dma_wait3A_249 = arith.constant 0 : i32
    %dma_wait3A_250 = tpu.memref_slice %arg5[%add3A_142, %dma_wait3A_249] : memref<1024x1024xf32, #tpu.memory_space<hbm>> -> memref<8x1024xf32, #tpu.memory_space<hbm>>
    %dma_wait3A_251 = arith.constant 0 : i32
    %dma_wait3A_252 = tpu.memref_slice %arg5[%add3A_142, %dma_wait3A_251] : memref<1024x1024xf32, #tpu.memory_space<hbm>> -> memref<8x1024xf32, #tpu.memory_space<hbm>>
    %dma_wait3A_253 = arith.constant 0 : i32
    %dma_wait3A_254 = arith.constant 0 : i32
    %dma_wait3A_255 = tpu.memref_slice %arg11[%dma_wait3A_253, %dma_wait3A_254] : memref<32x1024xf32, #tpu.memory_space<vmem>> -> memref<8x1024xf32, #tpu.memory_space<vmem>>
    tpu.wait_dma2 semaphore(%arg16 : memref<!tpu.dma_semaphore, #tpu.memory_space<semaphore_mem>>) src(%dma_wait3A_255 : memref<8x1024xf32, #tpu.memory_space<vmem>>) dst(%dma_wait3A_252 : memref<8x1024xf32, #tpu.memory_space<hbm>>)
    %dma_wait3A_256 = arith.constant 8 : i32
    %dma_wait3A_257 = arith.constant 0 : i32
    %dma_wait3A_258 = tpu.memref_slice %arg11[%dma_wait3A_256, %dma_wait3A_257] : memref<32x1024xf32, #tpu.memory_space<vmem>> -> memref<8x1024xf32, #tpu.memory_space<vmem>>
    %dma_wait3A_259 = arith.constant 0 : i32
    %dma_wait3A_260 = tpu.memref_slice %arg5[%add3A_173, %dma_wait3A_259] : memref<1024x1024xf32, #tpu.memory_space<hbm>> -> memref<8x1024xf32, #tpu.memory_space<hbm>>
    %dma_wait3A_261 = arith.constant 0 : i32
    %dma_wait3A_262 = tpu.memref_slice %arg5[%add3A_173, %dma_wait3A_261] : memref<1024x1024xf32, #tpu.memory_space<hbm>> -> memref<8x1024xf32, #tpu.memory_space<hbm>>
    %dma_wait3A_263 = arith.constant 8 : i32
    %dma_wait3A_264 = arith.constant 0 : i32
    %dma_wait3A_265 = tpu.memref_slice %arg11[%dma_wait3A_263, %dma_wait3A_264] : memref<32x1024xf32, #tpu.memory_space<vmem>> -> memref<8x1024xf32, #tpu.memory_space<vmem>>
    tpu.wait_dma2 semaphore(%arg16 : memref<!tpu.dma_semaphore, #tpu.memory_space<semaphore_mem>>) src(%dma_wait3A_265 : memref<8x1024xf32, #tpu.memory_space<vmem>>) dst(%dma_wait3A_262 : memref<8x1024xf32, #tpu.memory_space<hbm>>)
    %dma_wait3A_266 = arith.constant 16 : i32
    %dma_wait3A_267 = arith.constant 0 : i32
    %dma_wait3A_268 = tpu.memref_slice %arg11[%dma_wait3A_266, %dma_wait3A_267] : memref<32x1024xf32, #tpu.memory_space<vmem>> -> memref<8x1024xf32, #tpu.memory_space<vmem>>
    %dma_wait3A_269 = arith.constant 0 : i32
    %dma_wait3A_270 = tpu.memref_slice %arg5[%add3A_204, %dma_wait3A_269] : memref<1024x1024xf32, #tpu.memory_space<hbm>> -> memref<8x1024xf32, #tpu.memory_space<hbm>>
    %dma_wait3A_271 = arith.constant 0 : i32
    %dma_wait3A_272 = tpu.memref_slice %arg5[%add3A_204, %dma_wait3A_271] : memref<1024x1024xf32, #tpu.memory_space<hbm>> -> memref<8x1024xf32, #tpu.memory_space<hbm>>
    %dma_wait3A_273 = arith.constant 16 : i32
    %dma_wait3A_274 = arith.constant 0 : i32
    %dma_wait3A_275 = tpu.memref_slice %arg11[%dma_wait3A_273, %dma_wait3A_274] : memref<32x1024xf32, #tpu.memory_space<vmem>> -> memref<8x1024xf32, #tpu.memory_space<vmem>>
    tpu.wait_dma2 semaphore(%arg16 : memref<!tpu.dma_semaphore, #tpu.memory_space<semaphore_mem>>) src(%dma_wait3A_275 : memref<8x1024xf32, #tpu.memory_space<vmem>>) dst(%dma_wait3A_272 : memref<8x1024xf32, #tpu.memory_space<hbm>>)
    %dma_wait3A_276 = arith.constant 24 : i32
    %dma_wait3A_277 = arith.constant 0 : i32
    %dma_wait3A_278 = tpu.memref_slice %arg11[%dma_wait3A_276, %dma_wait3A_277] : memref<32x1024xf32, #tpu.memory_space<vmem>> -> memref<8x1024xf32, #tpu.memory_space<vmem>>
    %dma_wait3A_279 = arith.constant 0 : i32
    %dma_wait3A_280 = tpu.memref_slice %arg5[%add3A_235, %dma_wait3A_279] : memref<1024x1024xf32, #tpu.memory_space<hbm>> -> memref<8x1024xf32, #tpu.memory_space<hbm>>
    %dma_wait3A_281 = arith.constant 0 : i32
    %dma_wait3A_282 = tpu.memref_slice %arg5[%add3A_235, %dma_wait3A_281] : memref<1024x1024xf32, #tpu.memory_space<hbm>> -> memref<8x1024xf32, #tpu.memory_space<hbm>>
    %dma_wait3A_283 = arith.constant 24 : i32
    %dma_wait3A_284 = arith.constant 0 : i32
    %dma_wait3A_285 = tpu.memref_slice %arg11[%dma_wait3A_283, %dma_wait3A_284] : memref<32x1024xf32, #tpu.memory_space<vmem>> -> memref<8x1024xf32, #tpu.memory_space<vmem>>
    tpu.wait_dma2 semaphore(%arg16 : memref<!tpu.dma_semaphore, #tpu.memory_space<semaphore_mem>>) src(%dma_wait3A_285 : memref<8x1024xf32, #tpu.memory_space<vmem>>) dst(%dma_wait3A_282 : memref<8x1024xf32, #tpu.memory_space<hbm>>)
    return
  }
}

module attributes {stable_mosaic.version = 14 : i64} {
  func.func @_tc_stage(%arg0: i32, %arg1: memref<4x64x1024xf32, #tpu.memory_space<vmem>>, %arg2: memref<2x1024xi32, #tpu.memory_space<vmem>>, %arg3: memref<1x1024xf32, #tpu.memory_space<vmem>>, %arg4: memref<1x1xf32, #tpu.memory_space<vmem>>, %arg5: memref<288x1024xf32, #tpu.memory_space<vmem>>, %arg6: memref<1024x16xf32, #tpu.memory_space<vmem>>) attributes {dimension_semantics = [#tpu.dimension_semantics<arbitrary>], iteration_bounds = array<i64: 1>, scalar_prefetch = 0 : i64, scratch_operands = 0 : i64, tpu.core_type = #tpu.core_type<tc>, window_params = [{transform_indices = @transform_0, window_bounds = array<i64: 4, 64, 1024>}, {pipeline_mode = #tpu.pipeline_mode<synchronous>, transform_indices = @transform_1, window_bounds = array<i64: 2, 1024>}, {pipeline_mode = #tpu.pipeline_mode<synchronous>, transform_indices = @transform_2, window_bounds = array<i64: 1, 1024>}, {pipeline_mode = #tpu.pipeline_mode<synchronous>, transform_indices = @transform_3, window_bounds = array<i64: 1, 1>}, {pipeline_mode = #tpu.pipeline_mode<synchronous>, transform_indices = @transform_4, window_bounds = array<i64: 288, 1024>}, {pipeline_mode = #tpu.pipeline_mode<synchronous>, transform_indices = @transform_5, window_bounds = array<i64: 1024, 16>}]} {
    %get3A = arith.constant 0 : index
    %get3A_0 = arith.constant 0 : index
    %get3A_1 = arith.constant 0 : index
    %get3A_2 = vector.load %arg1[%get3A, %get3A_0, %get3A_1] : memref<4x64x1024xf32, #tpu.memory_space<vmem>>, vector<4x64x1024xf32>
    %reshape3A = vector.shape_cast %get3A_2 : vector<4x64x1024xf32> to vector<256x1024xf32>
    %get3A_3 = arith.constant 0 : index
    %get3A_4 = arith.constant 0 : index
    %get3A_5 = vector.load %arg3[%get3A_3, %get3A_4] : memref<1x1024xf32, #tpu.memory_space<vmem>>, vector<1x1024xf32>
    %dot_general3A = arith.constant dense<0.000000e+00> : vector<1x256xf32>
    %dot_general3A_6 = tpu.matmul %get3A_5, %reshape3A, %dot_general3A {dimension_numbers = #tpu.dot_dimension_numbers<[1], [1], [0], [0], [0, 0, 1, 0], [], []>, transpose_lhs_hint = false} : vector<1x1024xf32>, vector<256x1024xf32>, vector<1x256xf32> -> vector<1x256xf32>
    %get3A_7 = arith.constant 0 : index
    %get3A_8 = arith.constant 0 : index
    %get3A_9 = vector.load %arg4[%get3A_7, %get3A_8] : memref<1x1xf32, #tpu.memory_space<vmem>>, vector<1x1xf32>
    %get3A_10 = vector.extract %get3A_9[0, 0] : f32 from vector<1x1xf32>
    %add3A = vector.broadcast %get3A_10 : f32 to vector<1x256xf32>
    %add3A_11 = arith.addf %dot_general3A_6, %add3A : vector<1x256xf32>
    %reduce_max3A = arith.constant dense<0xFF800000> : vector<1xf32>
    %reduce_max3A_12 = vector.multi_reduction <maximumf>, %add3A_11, %reduce_max3A [1] : vector<1x256xf32> to vector<1xf32>
    %broadcast_in_dim3A = vector.shape_cast %reduce_max3A_12 : vector<1xf32> to vector<1x1xf32>
    %sub3A = vector.broadcast %broadcast_in_dim3A : vector<1x1xf32> to vector<1x256xf32>
    %sub3A_13 = arith.subf %add3A_11, %sub3A : vector<1x256xf32>
    %exp3A = math.exp %sub3A_13 : vector<1x256xf32>
    %iota3A = tpu.iota {dimensions = array<i32: 0>} : vector<288x256xi32>
    %iota3A_14 = tpu.iota {dimensions = array<i32: 1>} : vector<288x256xi32>
    %jit3A = arith.constant 72 : i32
    %div3A = vector.broadcast %jit3A : i32 to vector<288x256xi32>
    %div3A_15 = arith.divsi %iota3A, %div3A : vector<288x256xi32>
    %sign3A = arith.constant 0 : i32
    %sign3A_16 = vector.broadcast %sign3A : i32 to vector<288x256xi32>
    %sign3A_17 = arith.cmpi sgt, %iota3A, %sign3A_16 : vector<288x256xi32>
    %sign3A_18 = arith.extui %sign3A_17 : vector<288x256xi1> to vector<288x256xi32>
    %sign3A_19 = arith.constant 0 : i32
    %sign3A_20 = vector.broadcast %sign3A_19 : i32 to vector<288x256xi32>
    %sign3A_21 = arith.cmpi slt, %iota3A, %sign3A_20 : vector<288x256xi32>
    %sign3A_22 = arith.extui %sign3A_21 : vector<288x256xi1> to vector<288x256xi32>
    %sign3A_23 = arith.subi %sign3A_18, %sign3A_22 : vector<288x256xi32>
    %sign3A_24 = arith.constant 0 : i32
    %sign3A_25 = arith.cmpi sgt, %jit3A, %sign3A_24 : i32
    %sign3A_26 = arith.extui %sign3A_25 : i1 to i32
    %sign3A_27 = arith.constant 0 : i32
    %sign3A_28 = arith.cmpi slt, %jit3A, %sign3A_27 : i32
    %sign3A_29 = arith.extui %sign3A_28 : i1 to i32
    %sign3A_30 = arith.subi %sign3A_26, %sign3A_29 : i32
    %ne3A = vector.broadcast %sign3A_30 : i32 to vector<288x256xi32>
    %ne3A_31 = arith.cmpi ne, %sign3A_23, %ne3A : vector<288x256xi32>
    %rem3A = vector.broadcast %jit3A : i32 to vector<288x256xi32>
    %rem3A_32 = arith.remsi %iota3A, %rem3A : vector<288x256xi32>
    %ne3A_33 = arith.constant 0 : i32
    %ne3A_34 = vector.broadcast %ne3A_33 : i32 to vector<288x256xi32>
    %ne3A_35 = arith.cmpi ne, %rem3A_32, %ne3A_34 : vector<288x256xi32>
    %and3A = arith.andi %ne3A_31, %ne3A_35 : vector<288x256xi1>
    %sub3A_36 = arith.constant 1 : i32
    %sub3A_37 = vector.broadcast %sub3A_36 : i32 to vector<288x256xi32>
    %sub3A_38 = arith.subi %div3A_15, %sub3A_37 : vector<288x256xi32>
    %select_n3A = arith.select %and3A, %sub3A_38, %div3A_15 : vector<288x256xi1>, vector<288x256xi32>
    %jit3A_39 = arith.constant 64 : i32
    %div3A_40 = vector.broadcast %jit3A_39 : i32 to vector<288x256xi32>
    %div3A_41 = arith.divsi %iota3A_14, %div3A_40 : vector<288x256xi32>
    %sign3A_42 = arith.constant 0 : i32
    %sign3A_43 = vector.broadcast %sign3A_42 : i32 to vector<288x256xi32>
    %sign3A_44 = arith.cmpi sgt, %iota3A_14, %sign3A_43 : vector<288x256xi32>
    %sign3A_45 = arith.extui %sign3A_44 : vector<288x256xi1> to vector<288x256xi32>
    %sign3A_46 = arith.constant 0 : i32
    %sign3A_47 = vector.broadcast %sign3A_46 : i32 to vector<288x256xi32>
    %sign3A_48 = arith.cmpi slt, %iota3A_14, %sign3A_47 : vector<288x256xi32>
    %sign3A_49 = arith.extui %sign3A_48 : vector<288x256xi1> to vector<288x256xi32>
    %sign3A_50 = arith.subi %sign3A_45, %sign3A_49 : vector<288x256xi32>
    %sign3A_51 = arith.constant 0 : i32
    %sign3A_52 = arith.cmpi sgt, %jit3A_39, %sign3A_51 : i32
    %sign3A_53 = arith.extui %sign3A_52 : i1 to i32
    %sign3A_54 = arith.constant 0 : i32
    %sign3A_55 = arith.cmpi slt, %jit3A_39, %sign3A_54 : i32
    %sign3A_56 = arith.extui %sign3A_55 : i1 to i32
    %sign3A_57 = arith.subi %sign3A_53, %sign3A_56 : i32
    %ne3A_58 = vector.broadcast %sign3A_57 : i32 to vector<288x256xi32>
    %ne3A_59 = arith.cmpi ne, %sign3A_50, %ne3A_58 : vector<288x256xi32>
    %rem3A_60 = vector.broadcast %jit3A_39 : i32 to vector<288x256xi32>
    %rem3A_61 = arith.remsi %iota3A_14, %rem3A_60 : vector<288x256xi32>
    %ne3A_62 = arith.constant 0 : i32
    %ne3A_63 = vector.broadcast %ne3A_62 : i32 to vector<288x256xi32>
    %ne3A_64 = arith.cmpi ne, %rem3A_61, %ne3A_63 : vector<288x256xi32>
    %and3A_65 = arith.andi %ne3A_59, %ne3A_64 : vector<288x256xi1>
    %sub3A_66 = arith.constant 1 : i32
    %sub3A_67 = vector.broadcast %sub3A_66 : i32 to vector<288x256xi32>
    %sub3A_68 = arith.subi %div3A_41, %sub3A_67 : vector<288x256xi32>
    %select_n3A_69 = arith.select %and3A_65, %sub3A_68, %div3A_41 : vector<288x256xi1>, vector<288x256xi32>
    %eq3A = arith.cmpi eq, %select_n3A, %select_n3A_69 : vector<288x256xi32>
    %jit3A_70 = arith.constant 64 : i32
    %eq3A_71 = arith.constant 0 : i32
    %eq3A_72 = arith.cmpi eq, %jit3A_70, %eq3A_71 : i32
    %jit3A_73 = arith.constant 1 : i32
    %select_n3A_74 = arith.select %eq3A_72, %jit3A_73, %jit3A_70 : i32
    %rem3A_75 = vector.broadcast %select_n3A_74 : i32 to vector<288x256xi32>
    %rem3A_76 = arith.remsi %iota3A_14, %rem3A_75 : vector<288x256xi32>
    %ne3A_77 = arith.constant 0 : i32
    %ne3A_78 = vector.broadcast %ne3A_77 : i32 to vector<288x256xi32>
    %ne3A_79 = arith.cmpi ne, %rem3A_76, %ne3A_78 : vector<288x256xi32>
    %lt3A = arith.constant 0 : i32
    %lt3A_80 = vector.broadcast %lt3A : i32 to vector<288x256xi32>
    %lt3A_81 = arith.cmpi slt, %rem3A_76, %lt3A_80 : vector<288x256xi32>
    %lt3A_82 = arith.constant 0 : i32
    %lt3A_83 = arith.cmpi slt, %select_n3A_74, %lt3A_82 : i32
    %ne3A_84 = vector.broadcast %lt3A_83 : i1 to vector<288x256xi1>
    %ne3A_85 = vector.broadcast %ne3A_84 : vector<288x256xi1> to vector<288x256xi1>
    %ne3A_86 = arith.xori %lt3A_81, %ne3A_85 : vector<288x256xi1>
    %and3A_87 = arith.andi %ne3A_86, %ne3A_79 : vector<288x256xi1>
    %add3A_88 = vector.broadcast %select_n3A_74 : i32 to vector<288x256xi32>
    %add3A_89 = arith.addi %rem3A_76, %add3A_88 : vector<288x256xi32>
    %select_n3A_90 = arith.select %and3A_87, %add3A_89, %rem3A_76 : vector<288x256xi1>, vector<288x256xi32>
    %jit3A_91 = arith.constant 72 : i32
    %eq3A_92 = arith.constant 0 : i32
    %eq3A_93 = arith.cmpi eq, %jit3A_91, %eq3A_92 : i32
    %jit3A_94 = arith.constant 1 : i32
    %select_n3A_95 = arith.select %eq3A_93, %jit3A_94, %jit3A_91 : i32
    %rem3A_96 = vector.broadcast %select_n3A_95 : i32 to vector<288x256xi32>
    %rem3A_97 = arith.remsi %iota3A, %rem3A_96 : vector<288x256xi32>
    %ne3A_98 = arith.constant 0 : i32
    %ne3A_99 = vector.broadcast %ne3A_98 : i32 to vector<288x256xi32>
    %ne3A_100 = arith.cmpi ne, %rem3A_97, %ne3A_99 : vector<288x256xi32>
    %lt3A_101 = arith.constant 0 : i32
    %lt3A_102 = vector.broadcast %lt3A_101 : i32 to vector<288x256xi32>
    %lt3A_103 = arith.cmpi slt, %rem3A_97, %lt3A_102 : vector<288x256xi32>
    %lt3A_104 = arith.constant 0 : i32
    %lt3A_105 = arith.cmpi slt, %select_n3A_95, %lt3A_104 : i32
    %ne3A_106 = vector.broadcast %lt3A_105 : i1 to vector<288x256xi1>
    %ne3A_107 = vector.broadcast %ne3A_106 : vector<288x256xi1> to vector<288x256xi1>
    %ne3A_108 = arith.xori %lt3A_103, %ne3A_107 : vector<288x256xi1>
    %and3A_109 = arith.andi %ne3A_108, %ne3A_100 : vector<288x256xi1>
    %add3A_110 = vector.broadcast %select_n3A_95 : i32 to vector<288x256xi32>
    %add3A_111 = arith.addi %rem3A_97, %add3A_110 : vector<288x256xi32>
    %select_n3A_112 = arith.select %and3A_109, %add3A_111, %rem3A_97 : vector<288x256xi1>, vector<288x256xi32>
    %lt3A_113 = arith.cmpi slt, %select_n3A_90, %select_n3A_112 : vector<288x256xi32>
    %and3A_114 = arith.andi %eq3A, %lt3A_113 : vector<288x256xi1>
    %convert_element_type3A = arith.extui %and3A_114 : vector<288x256xi1> to vector<288x256xi32>
    %convert_element_type3A_115 = arith.sitofp %convert_element_type3A : vector<288x256xi32> to vector<288x256xf32>
    %mul3A = vector.broadcast %exp3A : vector<1x256xf32> to vector<288x256xf32>
    %mul3A_116 = arith.mulf %convert_element_type3A_115, %mul3A : vector<288x256xf32>
    %dot_general3A_117 = arith.constant dense<0.000000e+00> : vector<288x1024xf32>
    %dot_general3A_118 = tpu.matmul %mul3A_116, %reshape3A, %dot_general3A_117 {dimension_numbers = #tpu.dot_dimension_numbers<[1], [0], [0], [1], [0, 0, 1, 1], [], []>, transpose_lhs_hint = false} : vector<288x256xf32>, vector<256x1024xf32>, vector<288x1024xf32> -> vector<288x1024xf32>
    %swap3A = arith.constant 0 : index
    %swap3A_119 = arith.constant 0 : index
    %swap3A_120 = vector.load %arg5[%swap3A, %swap3A_119] : memref<288x1024xf32, #tpu.memory_space<vmem>>, vector<288x1024xf32>
    tpu.vector_store %arg5[%swap3A, %swap3A_119], %dot_general3A_118 {strides = array<i32>} : memref<288x1024xf32, #tpu.memory_space<vmem>>, vector<288x1024xf32>,
    %get3A_121 = arith.constant 0 : index
    %get3A_122 = arith.constant 0 : index
    %get3A_123 = vector.load %arg2[%get3A_121, %get3A_122] : memref<2x1024xi32, #tpu.memory_space<vmem>>, vector<1x1024xi32>
    %get3A_124 = arith.constant 1 : index
    %get3A_125 = arith.constant 0 : index
    %get3A_126 = vector.load %arg2[%get3A_124, %get3A_125] : memref<2x1024xi32, #tpu.memory_space<vmem>>, vector<1x1024xi32>
    %iota3A_127 = tpu.iota {dimensions = array<i32: 0>} : vector<256x1024xi32>
    %iota3A_128 = tpu.iota {dimensions = array<i32: 1>} : vector<256x1024xi32>
    %jit3A_129 = arith.constant 64 : i32
    %eq3A_130 = arith.constant 0 : i32
    %eq3A_131 = arith.cmpi eq, %jit3A_129, %eq3A_130 : i32
    %jit3A_132 = arith.constant 1 : i32
    %select_n3A_133 = arith.select %eq3A_131, %jit3A_132, %jit3A_129 : i32
    %rem3A_134 = vector.broadcast %select_n3A_133 : i32 to vector<256x1024xi32>
    %rem3A_135 = arith.remsi %iota3A_127, %rem3A_134 : vector<256x1024xi32>
    %ne3A_136 = arith.constant 0 : i32
    %ne3A_137 = vector.broadcast %ne3A_136 : i32 to vector<256x1024xi32>
    %ne3A_138 = arith.cmpi ne, %rem3A_135, %ne3A_137 : vector<256x1024xi32>
    %lt3A_139 = arith.constant 0 : i32
    %lt3A_140 = vector.broadcast %lt3A_139 : i32 to vector<256x1024xi32>
    %lt3A_141 = arith.cmpi slt, %rem3A_135, %lt3A_140 : vector<256x1024xi32>
    %lt3A_142 = arith.constant 0 : i32
    %lt3A_143 = arith.cmpi slt, %select_n3A_133, %lt3A_142 : i32
    %ne3A_144 = vector.broadcast %lt3A_143 : i1 to vector<256x1024xi1>
    %ne3A_145 = vector.broadcast %ne3A_144 : vector<256x1024xi1> to vector<256x1024xi1>
    %ne3A_146 = arith.xori %lt3A_141, %ne3A_145 : vector<256x1024xi1>
    %and3A_147 = arith.andi %ne3A_146, %ne3A_138 : vector<256x1024xi1>
    %add3A_148 = vector.broadcast %select_n3A_133 : i32 to vector<256x1024xi32>
    %add3A_149 = arith.addi %rem3A_135, %add3A_148 : vector<256x1024xi32>
    %select_n3A_150 = arith.select %and3A_147, %add3A_149, %rem3A_135 : vector<256x1024xi1>, vector<256x1024xi32>
    %jit3A_151 = arith.constant 64 : i32
    %div3A_152 = vector.broadcast %jit3A_151 : i32 to vector<256x1024xi32>
    %div3A_153 = arith.divsi %iota3A_127, %div3A_152 : vector<256x1024xi32>
    %sign3A_154 = arith.constant 0 : i32
    %sign3A_155 = vector.broadcast %sign3A_154 : i32 to vector<256x1024xi32>
    %sign3A_156 = arith.cmpi sgt, %iota3A_127, %sign3A_155 : vector<256x1024xi32>
    %sign3A_157 = arith.extui %sign3A_156 : vector<256x1024xi1> to vector<256x1024xi32>
    %sign3A_158 = arith.constant 0 : i32
    %sign3A_159 = vector.broadcast %sign3A_158 : i32 to vector<256x1024xi32>
    %sign3A_160 = arith.cmpi slt, %iota3A_127, %sign3A_159 : vector<256x1024xi32>
    %sign3A_161 = arith.extui %sign3A_160 : vector<256x1024xi1> to vector<256x1024xi32>
    %sign3A_162 = arith.subi %sign3A_157, %sign3A_161 : vector<256x1024xi32>
    %sign3A_163 = arith.constant 0 : i32
    %sign3A_164 = arith.cmpi sgt, %jit3A_151, %sign3A_163 : i32
    %sign3A_165 = arith.extui %sign3A_164 : i1 to i32
    %sign3A_166 = arith.constant 0 : i32
    %sign3A_167 = arith.cmpi slt, %jit3A_151, %sign3A_166 : i32
    %sign3A_168 = arith.extui %sign3A_167 : i1 to i32
    %sign3A_169 = arith.subi %sign3A_165, %sign3A_168 : i32
    %ne3A_170 = vector.broadcast %sign3A_169 : i32 to vector<256x1024xi32>
    %ne3A_171 = arith.cmpi ne, %sign3A_162, %ne3A_170 : vector<256x1024xi32>
    %rem3A_172 = vector.broadcast %jit3A_151 : i32 to vector<256x1024xi32>
    %rem3A_173 = arith.remsi %iota3A_127, %rem3A_172 : vector<256x1024xi32>
    %ne3A_174 = arith.constant 0 : i32
    %ne3A_175 = vector.broadcast %ne3A_174 : i32 to vector<256x1024xi32>
    %ne3A_176 = arith.cmpi ne, %rem3A_173, %ne3A_175 : vector<256x1024xi32>
    %and3A_177 = arith.andi %ne3A_171, %ne3A_176 : vector<256x1024xi1>
    %sub3A_178 = arith.constant 1 : i32
    %sub3A_179 = vector.broadcast %sub3A_178 : i32 to vector<256x1024xi32>
    %sub3A_180 = arith.subi %div3A_153, %sub3A_179 : vector<256x1024xi32>
    %select_n3A_181 = arith.select %and3A_177, %sub3A_180, %div3A_153 : vector<256x1024xi1>, vector<256x1024xi32>
    %jit3A_182 = arith.constant 256 : i32
    %div3A_183 = vector.broadcast %jit3A_182 : i32 to vector<256x1024xi32>
    %div3A_184 = arith.divsi %iota3A_128, %div3A_183 : vector<256x1024xi32>
    %sign3A_185 = arith.constant 0 : i32
    %sign3A_186 = vector.broadcast %sign3A_185 : i32 to vector<256x1024xi32>
    %sign3A_187 = arith.cmpi sgt, %iota3A_128, %sign3A_186 : vector<256x1024xi32>
    %sign3A_188 = arith.extui %sign3A_187 : vector<256x1024xi1> to vector<256x1024xi32>
    %sign3A_189 = arith.constant 0 : i32
    %sign3A_190 = vector.broadcast %sign3A_189 : i32 to vector<256x1024xi32>
    %sign3A_191 = arith.cmpi slt, %iota3A_128, %sign3A_190 : vector<256x1024xi32>
    %sign3A_192 = arith.extui %sign3A_191 : vector<256x1024xi1> to vector<256x1024xi32>
    %sign3A_193 = arith.subi %sign3A_188, %sign3A_192 : vector<256x1024xi32>
    %sign3A_194 = arith.constant 0 : i32
    %sign3A_195 = arith.cmpi sgt, %jit3A_182, %sign3A_194 : i32
    %sign3A_196 = arith.extui %sign3A_195 : i1 to i32
    %sign3A_197 = arith.constant 0 : i32
    %sign3A_198 = arith.cmpi slt, %jit3A_182, %sign3A_197 : i32
    %sign3A_199 = arith.extui %sign3A_198 : i1 to i32
    %sign3A_200 = arith.subi %sign3A_196, %sign3A_199 : i32
    %ne3A_201 = vector.broadcast %sign3A_200 : i32 to vector<256x1024xi32>
    %ne3A_202 = arith.cmpi ne, %sign3A_193, %ne3A_201 : vector<256x1024xi32>
    %rem3A_203 = vector.broadcast %jit3A_182 : i32 to vector<256x1024xi32>
    %rem3A_204 = arith.remsi %iota3A_128, %rem3A_203 : vector<256x1024xi32>
    %ne3A_205 = arith.constant 0 : i32
    %ne3A_206 = vector.broadcast %ne3A_205 : i32 to vector<256x1024xi32>
    %ne3A_207 = arith.cmpi ne, %rem3A_204, %ne3A_206 : vector<256x1024xi32>
    %and3A_208 = arith.andi %ne3A_202, %ne3A_207 : vector<256x1024xi1>
    %sub3A_209 = arith.constant 1 : i32
    %sub3A_210 = vector.broadcast %sub3A_209 : i32 to vector<256x1024xi32>
    %sub3A_211 = arith.subi %div3A_184, %sub3A_210 : vector<256x1024xi32>
    %select_n3A_212 = arith.select %and3A_208, %sub3A_211, %div3A_184 : vector<256x1024xi1>, vector<256x1024xi32>
    %eq3A_213 = arith.cmpi eq, %select_n3A_181, %select_n3A_212 : vector<256x1024xi32>
    %ge3A = vector.broadcast %get3A_123 : vector<1x1024xi32> to vector<256x1024xi32>
    %ge3A_214 = arith.cmpi sge, %select_n3A_150, %ge3A : vector<256x1024xi32>
    %and3A_215 = arith.andi %eq3A_213, %ge3A_214 : vector<256x1024xi1>
    %le3A = vector.broadcast %get3A_126 : vector<1x1024xi32> to vector<256x1024xi32>
    %le3A_216 = arith.cmpi sle, %select_n3A_150, %le3A : vector<256x1024xi32>
    %and3A_217 = arith.andi %and3A_215, %le3A_216 : vector<256x1024xi1>
    %convert_element_type3A_218 = arith.extui %and3A_217 : vector<256x1024xi1> to vector<256x1024xi32>
    %convert_element_type3A_219 = arith.sitofp %convert_element_type3A_218 : vector<256x1024xi32> to vector<256x1024xf32>
    %dot_general3A_220 = arith.constant dense<0.000000e+00> : vector<1x1024xf32>
    %dot_general3A_221 = tpu.matmul %exp3A, %convert_element_type3A_219, %dot_general3A_220 {dimension_numbers = #tpu.dot_dimension_numbers<[1], [0], [0], [1], [0, 0, 1, 1], [], []>, transpose_lhs_hint = false} : vector<1x256xf32>, vector<256x1024xf32>, vector<1x1024xf32> -> vector<1x1024xf32>
    %div3A_222 = arith.constant 1.000000e+00 : f32
    %div3A_223 = vector.broadcast %div3A_222 : f32 to vector<1x1024xf32>
    %div3A_224 = arith.divf %div3A_223, %dot_general3A_221 : vector<1x1024xf32>
    %transpose3A = tpu.transpose %div3A_224, [1, 0] : vector<1x1024xf32> -> vector<1024x1xf32>
    %broadcast_in_dim3A_225 = vector.shape_cast %transpose3A : vector<1024x1xf32> to vector<1024x1xf32>
    %broadcast_in_dim3A_226 = vector.broadcast %broadcast_in_dim3A_225 : vector<1024x1xf32> to vector<1024x16xf32>
    %swap3A_227 = arith.constant 0 : index
    %swap3A_228 = arith.constant 0 : index
    %swap3A_229 = vector.load %arg6[%swap3A_227, %swap3A_228] : memref<1024x16xf32, #tpu.memory_space<vmem>>, vector<1024x16xf32>
    tpu.vector_store %arg6[%swap3A_227, %swap3A_228], %broadcast_in_dim3A_226 {strides = array<i32>} : memref<1024x16xf32, #tpu.memory_space<vmem>>, vector<1024x16xf32>,
    return
  }
  func.func @transform_0(%arg0: i32) -> (i32, i32, i32) {
    %c0_i32 = arith.constant 0 : i32
    %c0_i32_0 = arith.constant 0 : i32
    %c0_i32_1 = arith.constant 0 : i32
    %c0_i32_2 = arith.constant 0 : i32
    return %c0_i32, %c0_i32_0, %c0_i32_1 : i32, i32, i32
  }
  func.func @transform_1(%arg0: i32) -> (i32, i32) {
    %c0_i32 = arith.constant 0 : i32
    %c0_i32_0 = arith.constant 0 : i32
    %c0_i32_1 = arith.constant 0 : i32
    return %c0_i32, %c0_i32_0 : i32, i32
  }
  func.func @transform_2(%arg0: i32) -> (i32, i32) {
    %c0_i32 = arith.constant 0 : i32
    %c0_i32_0 = arith.constant 0 : i32
    %c0_i32_1 = arith.constant 0 : i32
    return %c0_i32, %c0_i32_0 : i32, i32
  }
  func.func @transform_3(%arg0: i32) -> (i32, i32) {
    %c0_i32 = arith.constant 0 : i32
    %c0_i32_0 = arith.constant 0 : i32
    %c0_i32_1 = arith.constant 0 : i32
    return %c0_i32, %c0_i32_0 : i32, i32
  }
  func.func @transform_4(%arg0: i32) -> (i32, i32) {
    %c0_i32 = arith.constant 0 : i32
    %c0_i32_0 = arith.constant 0 : i32
    %c0_i32_1 = arith.constant 0 : i32
    return %c0_i32, %c0_i32_0 : i32, i32
  }
  func.func @transform_5(%arg0: i32) -> (i32, i32) {
    %c0_i32 = arith.constant 0 : i32
    %c0_i32_0 = arith.constant 0 : i32
    %c0_i32_1 = arith.constant 0 : i32
    return %c0_i32, %c0_i32_0 : i32, i32
  }
}

</mosaic_0001>

<sc_bundles>
// kernel: kernel.4.cloned.1.call-start
scs
__scs_entry_jumppad:
0x0: {  	(pc) =	sbr.rel $0x88, $3  }
0x1: {  	(tag) =	ssettag $0x0;
	lr =	simm.s32 $0x1  }
0x2: {  	[smem:$0x3F9D] =	sst lr;
	_ =	strace $0xD0000000  }
0x3: {  	_ = 	snop  }
0x4: {  	_ = 	snop  }
0x5: {  	_ = 	snop  }
0x6: {  	_ = 	snop  }
0x7: {  	_ = 	snop  }
__scs_overlays_trampoline_lowered:
0x8: {  	[smem:$0x3FAC] =	sst s0  }
0x9: {  	[smem:$0x3FAD] =	sst s1  }
0xa: {  	[smem:$0x3FAE] =	sst s2  }
0xb: {  	[smem:$0x3FAF] =	sst s3  }
0xc: {  	[smem:$0x3FB0] =	sst s4  }
0xd: {  	[smem:$0x3FB1] =	sst s5  }
0xe: {  	[smem:$0x3FB2] =	sst s6  }
0xf: {  	[smem:$0x3FB3] =	sst s7  }
0x10: {  	[smem:$0x3FB4] =	sst s8  }
0x11: {  	[smem:$0x3FB5] =	sst s9;
	s0 =	simm.s32 @!p0 $0x0  }
0x12: {  	s1 =	sld [smem:$0x3F9B];
	s0 =	simm.s32 @p0 $0x1  }
0x13: {  	[smem:$0x3FB6] =	sst s0;
	s0 =	simm.s32 @!p1 $0x0  }
0x14: {  	s2 =	sld [smem:$0x3F9A];
	s0 =	simm.s32 @p1 $0x1  }
0x15: {  	[smem:$0x3FB7] =	sst s0;
	s0 =	simm.s32 @!p2 $0x0  }
0x16: {  	s3 =	sld [smem:$0x3FDB];
	s0 =	simm.s32 @p2 $0x1  }
0x17: {  	s4 =	simm.s32 $0x1BF5;
	[smem:$0x3FB9] =	sst s0  }
0x18: {  	s0 =	sld [smem:$0x3F9C];
	_ =	swait.ge [sflag:s4], $0x0  }
0x19: {  	s7 =	sld [smem:$0x3F9D]  }
0x1a: {  	s8 =	sadd.s32 $0xFFFFE003, lr  }
0x1b: {  	s9 =	sadd.s32 $0xFFFFFEF7, lr;
	s5 =	simm.s32 $0xFFFFFFFF;
	p2 =	slt.u32 s8, $0xFFFFF086  }
0x1c: {  	p1 =	slt.u32 s9, $0xF7A;
	s5 =	simm.s32 @!p2 $0x0  }
0x1d: {  	s5 =	simm.s32 @p1 $0x1;
	p0 =	seq.s32 s7, s2  }
0x1e: {  	s7 =	smul.u32 @!p0 $0xF7A, s2;
	p2 =	seq.s32 @!p0 s5, $0x0  }
0x1f: {  	s9 =	smul.u32 $0xF7A, s1;
	s8 =	simm.s32 @!p0 $0x1BF5;
	p2 =	por !p2, p0  }
0x20: {  	[sflag:s8] =	ssyncset.s32 @!p0 $0xFFFFF086;
	s6 =	sadd.s32 @!p0 s3, s7;
	s7 =	simm.s32 @!p0 $0x108  }
0x21: {  	s3 =	sadd.s32 s3, s9;
	s6 =	sadd.s32 @!p0 $0x88, s6;
	s7 =	simm.s32 @p2 $0x1082  }
0x22: {  	[simem:s7], [sflag:s8] =	dma.local @!p0 [hbm:s6], $0xF7A  }
0x23: {  	s9 =	sor.u32 $0xD0000000, s2;
	s6 =	simm.s32 $0x108;
	_ =	swait.ge @!p0 [sflag:s8], $0x0  }
0x24: {  	s3 =	sadd.s32 $0x88, s3;
	s6 =	simm.s32 @!p1 $0x1082;
	[sflag:s4] =	ssyncset.s32 $0xFFFFF086  }
0x25: {  	[simem:s6], [sflag:s4] =	dma.local [hbm:s3], $0xF7A  }
0x26: {  	[smem:$0x3F9D] =	sst s1;
	(tag) =	ssettag s2;
	_ =	strace s9  }
0x27: {  	s1 =	sld [smem:$0x3FAD]  }
0x28: {  	s2 =	sld [smem:$0x3FAE]  }
0x29: {  	s4 =	sld [smem:$0x3FB0]  }
0x2a: {  	p0 =	seq.s32 s5, $0x0;
	s5 =	sld [smem:$0x3FB1]  }
0x2b: {  	s6 =	sld [smem:$0x3FB2]  }
0x2c: {  	s7 =	sld [smem:$0x3FB3]  }
0x2d: {  	s3 =	simm.s32 $0x108;
	s8 =	sld [smem:$0x3FB4]  }
0x2e: {  	s3 =	simm.s32 @!p0 $0x1082;
	s9 =	sld [smem:$0x3FB5]  }
0x2f: {  	lr =	sadd.s32 s0, s3;
	s0 =	sld [smem:$0x3FAC]  }
0x30: {  	s3 =	sld [smem:$0x3FAF]  }
0x31: {  	[smem:$0x3FB8] =	sst s10  }
0x32: {  	s10 =	sld [smem:$0x3FB6];
	_ =	sdelay $0x3  }
0x33: {  	p0 =	seq.s32 s10, $0x1;
	s10 =	sld [smem:$0x3FB8];
	_ =	sdelay $0x3  }
0x34: {  	[smem:$0x3FB8] =	sst s10  }
0x35: {  	s10 =	sld [smem:$0x3FB7];
	_ =	sdelay $0x3  }
0x36: {  	p1 =	seq.s32 s10, $0x1;
	s10 =	sld [smem:$0x3FB8];
	_ =	sdelay $0x3  }
0x37: {  	[smem:$0x3FB8] =	sst s10  }
0x38: {  	s10 =	sld [smem:$0x3FB9]  }
0x39: {  	_ = 	snop;
	(pc) =	sbr.ind lr, $3  }
0x3a: {  	_ = 	snop  }
0x3b: {  	_ = 	snop  }
0x3c: {  	p2 =	seq.s32 s10, $0x1;
	s10 =	sld [smem:$0x3FB8]  }
0x3d: {  	_ =	shalt  }
0x3e: {  	_ =	shalt  }
0x3f: {  	_ =	shalt  }
0x40: {  	_ =	shalt  }
0x41: {  	_ =	shalt  }
0x42: {  	_ =	shalt  }
0x43: {  	_ =	shalt  }
0x44: {  	_ =	shalt  }
0x45: {  	_ =	shalt  }
0x46: {  	_ =	shalt  }
0x47: {  	_ =	shalt  }
0x48: {  	_ =	shalt  }
0x49: {  	_ =	shalt  }
0x4a: {  	_ =	shalt  }
0x4b: {  	_ =	shalt  }
0x4c: {  	_ =	shalt  }
0x4d: {  	_ =	shalt  }
0x4e: {  	_ =	shalt  }
0x4f: {  	_ =	shalt  }
0x50: {  	_ =	shalt  }
0x51: {  	_ =	shalt  }
0x52: {  	_ =	shalt  }
0x53: {  	_ =	shalt  }
0x54: {  	_ =	shalt  }
0x55: {  	_ =	shalt  }
0x56: {  	_ =	shalt  }
0x57: {  	_ =	shalt  }
0x58: {  	_ =	shalt  }
0x59: {  	_ =	shalt  }
0x5a: {  	_ =	shalt  }
0x5b: {  	_ =	shalt  }
0x5c: {  	_ =	shalt  }
0x5d: {  	_ =	shalt  }
0x5e: {  	_ =	shalt  }
0x5f: {  	_ =	shalt  }
0x60: {  	_ =	shalt  }
0x61: {  	_ =	shalt  }
0x62: {  	_ =	shalt  }
0x63: {  	_ =	shalt  }
0x64: {  	_ =	shalt  }
0x65: {  	_ =	shalt  }
0x66: {  	_ =	shalt  }
0x67: {  	_ =	shalt  }
0x68: {  	_ =	shalt  }
0x69: {  	_ =	shalt  }
0x6a: {  	_ =	shalt  }
0x6b: {  	_ =	shalt  }
0x6c: {  	_ =	shalt  }
0x6d: {  	_ =	shalt  }
0x6e: {  	_ =	shalt  }
0x6f: {  	_ =	shalt  }
0x70: {  	_ =	shalt  }
0x71: {  	_ =	shalt  }
0x72: {  	_ =	shalt  }
0x73: {  	_ =	shalt  }
0x74: {  	_ =	shalt  }
0x75: {  	_ =	shalt  }
0x76: {  	_ =	shalt  }
0x77: {  	_ =	shalt  }
0x78: {  	_ =	shalt  }
0x79: {  	_ =	shalt  }
0x7a: {  	_ =	shalt  }
0x7b: {  	_ =	shalt  }
0x7c: {  	_ =	shalt  }
0x7d: {  	_ =	shalt  }
0x7e: {  	_ =	shalt  }
0x7f: {  	_ =	shalt  }
0x80: {  	_ =	shalt  }
0x81: {  	_ =	shalt  }
0x82: {  	_ =	shalt  }
0x83: {  	_ =	shalt  }
0x84: {  	_ =	shalt  }
0x85: {  	_ =	shalt  }
0x86: {  	_ =	shalt  }
0x87: {  	_ =	shalt  }
.Lfunc_end0:
.L_simem_size_0:
called_computation_lowered:
.L_overlay_start_0:
0x88: {  	s2 =	sld [smem:$0x3FD9]  }
0x89: {  	s3 =	sld [smem:$0x3FFE];
	_ =	sdelay $0x1  }
0x8a: {  	s1 =	srdreg.scid  }
0x8b: {  	s0 =	sand.u32 $0x1, s1  }
0x8c: {  	s17 =	sshll.u32 s0, $0xA;
	s2 =	sadd.s32 s3, s2  }
0x8d: {  	s2 =	sadd.s32 s2, s17  }
0x8e: {  	[smem:$0x3FC4] =	sst s2  }
0x8f: {  	_ = 	snop  }
0x90: {  	s2 =	sld [smem:$0x3FD0];
	(tm) =	ssettm $0x1  }
0x91: {  	s18 =	sld [smem:$0x3FFB];
	_ =	sdelay $0x3  }
0x92: {  	_ =	strace s18  }
0x93: {  	s3 =	sld [smem:$0x3FFC];
	_ =	sdelay $0x3  }
0x94: {  	_ =	strace s3  }
0x95: {  	s3 =	sld [smem:$0x3FFD];
	_ =	sdelay $0x3  }
0x96: {  	_ =	strace s3  }
0x97: {  	_ =	strace $0x8FFFFFFF  }
0x98: {  	s19 =	sld [smem:$0x3FDB];
	_ =	sdelay $0x1  }
0x99: {  	s4 =	simm.s32 $_scs_section_size  }
0x9a: {  	s5 =	simm.s32 $_size__tile_overlayer_lowered;
	s6 =	simm.s32 $_tile_overlayer_lowered  }
0x9b: {  	s22 =	simm.s32 $0x1BFF;
	s21 =	sshll.u32 s6, $0x1;
	s3 =	sadd.s32 s4, s19  }
0x9c: {  	s7 =	simm.s32 $0x0;
	s20 =	sshll.u32 s5, $0x1;
	s5 =	sadd.s32 s21, s3  }
0x9d: {  	[timem:s7], [sflag:s22] =	dma.local [hbm:s5], s20  }
0x9e: {  	_ =	swait.ge [sflag:s22], s20  }
0x9f: {  	s4 =	ssub.s32 $0x0, s20;
	[sflag:s22] =	ssyncset.done $0x0  }
0xa0: {  	[sflag:s22] =	ssyncadd.s32 s4;
	_ =	sdelay $0x1  }
0xa1: {  	s23 =	simm.s32 $0x1B8B  }
0xa2: {  	_ =	swait.ge [sflag:s23], $0x1  }
0xa3: {  	[sflag:s23] =	ssyncset.done $0x0  }
0xa4: {  	s25 =	simm.s32 $0x1B8E;
	s24 =	sld [smem:$0x3FFE];
	[sflag:s23] =	ssyncadd.s32 $0xFFFFFFFF  }
0xa5: {  	s26 =	simm.s32 $execute0_lowered;
	[smem:$0x3FD2] =	sst s25  }
0xa6: {  	s5 =	sshll.u32 s26, $0x1;
	_ =	strace $0x80000046;
	[dreg:$0x1] =	wrdreg $0xFFFFFFFF  }
0xa7: {  	s28 =	simm.s32 $_size_execute0_lowered;
	s3 =	sadd.s32 s3, s5;
	[dreg:$0x0] =	wrdreg $0x0  }
0xa8: {  	s5 =	sshll.u32 s28, $0x1;
	[dreg:$0x2] =	wrdreg s3  }
0xa9: {  	[dreg:$0x3] =	wrdreg s5  }
0xaa: {  	[dreg:$0x4] =	wrdreg $0xC0  }
0xab: {  	_ =	task [dreg:s7], $0x5FFFF  }
0xac: {  	[dreg:$0x1] =	wrdreg $0xFFFFFFFF  }
0xad: {  	[dreg:$0x0] =	wrdreg $0x60  }
0xae: {  	[dreg:$0x2] =	wrdreg s24  }
0xaf: {  	[dreg:$0x3] =	wrdreg s2  }
0xb0: {  	[dreg:$0x4] =	wrdreg $0x9  }
0xb1: {  	_ =	task.clear_ibuf [dreg:s7], $0x5FFFF;
	_ =	strace $0x90000046  }
0xb2: {  	s29 =	simm.s32 $0x9;
	_ =	strace $0x80000048  }
0xb3: {  	_ =	swait.ge [sflag:s29], $0x1  }
0xb4: {  	[sflag:s29] =	ssyncadd.s32 $0xFFFFFFFF  }
0xb5: {  	_ =	strace $0x90000048  }
0xb6: {  	_ =	sfence  }
0xb7: {  	s30 =	sld [smem:$0x0];
	_ =	sdelay $0x2  }
0xb8: {  	s31 =	sshll.u32 s1, $0xD;
	s1 =	sshrl.u32 s1, $0x2  }
0xb9: {  	s3 =	sand.u32 $0x4000, s31;
	s1 =	sadd.s32 s1, s30  }
0xba: {  	s0 =	sor.u32 s3, s0;
	s1 =	sshll.u32 s1, $0x11  }
0xbb: {  	s0 =	sor.u32 s1, s0  }
0xbc: {  	s0 =	sadd.s32 $0x8F2B, s0  }
0xbd: {  	[sflag:s0] =	ssyncadd.remote.s32 $0x1  }
0xbe: {  	_ =	sfence.sel $0xFFFF  }
0xbf: {  	[dreg:$0x0] =	wrdreg $0xFFFFFFFF;
	(pc) =	sbr.abs _section_cstart, $3  }
0xc0: {  	[dreg:$0x1] =	wrdreg $0xFFFFFFFF  }
0xc1: {  	_ =	task.clear_ibuf [dreg:s7], $0x2FFFF;
	_ =	strace $0x9FFFFFFF  }
0xc2: {  	(tm) =	ssettm $0x7FFFFFFF  }
0xc3: {  	_ =	shalt  }
tec
execute0_lowered:
.L_overlay_start_1:
0x0: {  	(tag) =	ssettag $0x1  }
0x1: {  	s0 =	rddreg [dreg:$0x0]  }
0x2: {  	s1 =	rddreg [dreg:$0x1]  }
0x3: {  	s2 =	srdreg.scid;
	s9 =	stileid.u32  }
0x4: {  	s16 =	simm.s32 $0x6;
	s15 =	simm.s32 $0x1;
	s18 =	simm.s32 $0x2  }
0x5: {  	s20 =	simm.s32 $0x3;
	s21 =	simm.s32 $0x15100;
	s22 =	simm.s32 $0x4  }
0x6: {  	s23 =	simm.s32 $0x17100;
	s24 =	simm.s32 $0x5;
	s25 =	simm.s32 $0x0  }
0x7: {  	s4 =	sand.u32 $0x1, s2;
	s2 =	simm.s32 $0x0;
	s3 =	sshll.u32 s9, $0x6  }
0x8: {  	s9 =	sshrl.u32 s9, $0x2;
	s10 =	sadd.s32 $0x1300, s0;
	s5 =	sshll.u32 s4, $0x5  }
0x9: {  	[smem:$0x7FF] =	sst s2;
	s4 =	ssub.s32 $0x2, s4;
	s17 =	smul.u32 $0x48, s9  }
0xa: {  	s9 =	sadd.s32 $0x1200, s0;
	s7 =	sor.u32 s5, s3;
	_ =	strace $0x80000047  }
0xb: {  	s3 =	sadd.s32 $0x1000, s0;
	s8 =	sshrl.u32 s4, $0x1;
	s5 =	sshrl.u32 s7, $0x3  }
0xc: {  	s6 =	sshll.u32 s7, $0x4;
	s14 =	ssub.s32 s4, s8;
	s31 =	sshll.u32 s7, $0x7  }
0xd: {  	s19 =	sor.u32 $0x1, s17;
	s7 =	sadd.s32 $0x1100, s0;
	s5 =	sadd.s32 s5, s0  }
0xe: {  	v2 =	vlaneseq.u32;
	s6 =	sadd.s32 s6, s0;
	s8 =	sadd.s32 s1, s31;
	s14 =	smax.u32 s14, $0x1  }
0xf: {  	vm0 =	vmmov $0xffff;
	v3 =	vshrl.u32 v2, $0x3;
	v2 =	vand.u32 $0x7, v2;
	s4 =	sadd.s32 $0xE00, s5;
	s5 =	sadd.s32 $0xE80, s5;
	s6 =	sadd.s32 $0xA000, s6  }
0x10: {  	v3 =	vmul.u32 $0x8, v3;
	v1 =	vmov s17;
	v0 =	vmov s19;
	s11 =	sadd.s32 $0x400, s8;
	s12 =	sadd.s32 $0x800, s8;
	s13 =	sadd.s32 $0xC00, s8  }
.LBB2_1:
0x11: {  	s0 =	simm.s32 $0x80  }
0x12: {  	[tilespmem:s0], [sflag:$0x6] =	stream.linear.gather [hbm4b:s4+s2], $0x20, $0x38;
	[tilespmem:$0x19100] =	vst v63  }
0x13: {  	_ =	swait.ge [sflag:s16], $0x20  }
0x14: {  	[sflag:s16] =	ssyncset.done $0x0  }
0x15: {  	[sflag:s16] =	ssyncadd.s32 $0xFFFFFFE0  }
0x16: {  	[tilespmem:s2], [sflag:$0x6] =	stream.linear.gather [hbm4b:s5+s2], $0x20, $0x38;
	[tilespmem:$0x19100] =	vst v63  }
0x17: {  	_ =	swait.ge [sflag:s16], $0x20  }
0x18: {  	[sflag:s16] =	ssyncset.done $0x0  }
0x19: {  	s19 =	simm.s32 $0x100;
	[sflag:s16] =	ssyncadd.s32 $0xFFFFFFE0  }
0x1a: {  	[tilespmem:s19], [sflag:$0x6] =	stream.linear.gather [hbm4b:s6+s2], $0x1000, $0x38;
	[tilespmem:$0x19100] =	vst v63  }
0x1b: {  	_ =	swait.ge [sflag:s16], $0x1000  }
0x1c: {  	[sflag:s16] =	ssyncset.done $0x0  }
0x1d: {  	[sflag:s16] =	ssyncadd.s32 $0xFFFFF000  }
0x1e: {  	v4 =	vld [tilespmem:$0x0];
	_ =	sdelay $0x4  }
0x1f: {  	v4 =	vadd.s32 v0, v4  }
0x20: {  	[tilespmem:$0x0] =	vst v4  }
0x21: {  	v4 =	vld.msk [tilespmem:$0x0], $0xff;
	_ =	sdelay $0x4  }
0x22: {  	v5 =	vshll.u32 v4, $0x3  }
0x23: {  	v6 =	vld [tilespmem:$0x80];
	v4 =	vand.u32 $0x7, v4;
	v5 =	vand.u32 $0xFFFFFFC0, v5  }
0x24: {  	v7 =	vld [tilespmem:$0x10];
	v4 =	vor.u32 v4, v5  }
0x25: {  	v5 =	vld [tilespmem:$0x90];
	v4 =	vperm.xlane v4, v2;
	_ =	sdelay $0x1  }
0x26: {  	v4 =	vadd.s32 v3, v4  }
0x27: {  	v6 =	vadd.s32 v1, v6  }
0x28: {  	v63 =	vadd.s32 v0, v7;
	[tilespmem:$0x80] =	vst v6  }
0x29: {  	[tilespmem:$0x10] =	vst v63;
	v5 =	vadd.s32 v1, v5  }
0x2a: {  	s26 =	simm.s32 $0x1100;
	[tilespmem:$0x90] =	vst v5  }
0x2b: {  	[tilespmem:s26], [sflag:$0x1] =	stream.indirect_vreg.gather [hbm4b:s3+s2], $0x80, v4, vm0, $0xb8;
	[tilespmem:$0x19100] =	vst v63  }
0x2c: {  	s31 =	simm.s32 $0x1900  }
0x2d: {  	[tilespmem:s31], [sflag:$0x1] =	stream.indirect_vreg.gather [hbm4b:s7+s2], $0x80, v4, vm0, $0xb8;
	[tilespmem:$0x19100] =	vst v63  }
0x2e: {  	s1 =	simm.s32 $0x2100  }
0x2f: {  	[tilespmem:s1], [sflag:$0x1] =	stream.indirect_vreg.gather [hbm4b:s9+s2], $0x80, v4, vm0, $0xb8;
	[tilespmem:$0x19100] =	vst v63  }
0x30: {  	s17 =	simm.s32 $0x2900  }
0x31: {  	[tilespmem:s17], [sflag:$0x1] =	stream.indirect_vreg.gather [hbm4b:s10+s2], $0x80, v4, vm0, $0xb8;
	[tilespmem:$0x19100] =	vst v63  }
0x32: {  	v4 =	vld.msk [tilespmem:$0x80], $0xff;
	_ =	sdelay $0x4  }
0x33: {  	v5 =	vshll.u32 v4, $0x3  }
0x34: {  	v4 =	vand.u32 $0x7, v4;
	v5 =	vand.u32 $0xFFFFFFC0, v5  }
0x35: {  	v4 =	vor.u32 v4, v5  }
0x36: {  	v4 =	vperm.xlane v4, v2;
	_ =	sdelay $0x1  }
0x37: {  	v4 =	vadd.s32 v3, v4;
	_ =	sdelay $0x3  }
0x38: {  	s19 =	simm.s32 $0x9100  }
0x39: {  	[tilespmem:s19], [sflag:$0x1] =	stream.indirect_vreg.gather [hbm4b:s3+s2], $0x80, v4, vm0, $0xb8;
	[tilespmem:$0x19100] =	vst v63  }
0x3a: {  	s26 =	simm.s32 $0x9900  }
0x3b: {  	[tilespmem:s26], [sflag:$0x1] =	stream.indirect_vreg.gather [hbm4b:s7+s2], $0x80, v4, vm0, $0xb8;
	[tilespmem:$0x19100] =	vst v63  }
0x3c: {  	s31 =	simm.s32 $0xA100  }
0x3d: {  	[tilespmem:s31], [sflag:$0x1] =	stream.indirect_vreg.gather [hbm4b:s9+s2], $0x80, v4, vm0, $0xb8;
	[tilespmem:$0x19100] =	vst v63  }
0x3e: {  	s1 =	simm.s32 $0xA900  }
0x3f: {  	[tilespmem:s1], [sflag:$0x1] =	stream.indirect_vreg.gather [hbm4b:s10+s2], $0x80, v4, vm0, $0xb8;
	[tilespmem:$0x19100] =	vst v63  }
0x40: {  	v4 =	vld.msk [tilespmem:$0x8], $0xff;
	_ =	sdelay $0x4  }
0x41: {  	v5 =	vshll.u32 v4, $0x3  }
0x42: {  	v4 =	vand.u32 $0x7, v4;
	v5 =	vand.u32 $0xFFFFFFC0, v5  }
0x43: {  	v4 =	vor.u32 v4, v5  }
0x44: {  	v4 =	vperm.xlane v4, v2;
	_ =	sdelay $0x1  }
0x45: {  	v4 =	vadd.s32 v3, v4;
	_ =	sdelay $0x3  }
0x46: {  	s17 =	simm.s32 $0x3100  }
0x47: {  	[tilespmem:s17], [sflag:$0x2] =	stream.indirect_vreg.gather [hbm4b:s3+s2], $0x80, v4, vm0, $0xb8;
	[tilespmem:$0x19100] =	vst v63  }
0x48: {  	s19 =	simm.s32 $0x3900  }
0x49: {  	[tilespmem:s19], [sflag:$0x2] =	stream.indirect_vreg.gather [hbm4b:s7+s2], $0x80, v4, vm0, $0xb8;
	[tilespmem:$0x19100] =	vst v63  }
0x4a: {  	s26 =	simm.s32 $0x4100  }
0x4b: {  	[tilespmem:s26], [sflag:$0x2] =	stream.indirect_vreg.gather [hbm4b:s9+s2], $0x80, v4, vm0, $0xb8;
	[tilespmem:$0x19100] =	vst v63  }
0x4c: {  	s31 =	simm.s32 $0x4900  }
0x4d: {  	[tilespmem:s31], [sflag:$0x2] =	stream.indirect_vreg.gather [hbm4b:s10+s2], $0x80, v4, vm0, $0xb8;
	[tilespmem:$0x19100] =	vst v63  }
0x4e: {  	v4 =	vld.msk [tilespmem:$0x88], $0xff;
	_ =	sdelay $0x4  }
0x4f: {  	v5 =	vshll.u32 v4, $0x3  }
0x50: {  	v4 =	vand.u32 $0x7, v4;
	v5 =	vand.u32 $0xFFFFFFC0, v5  }
0x51: {  	v4 =	vor.u32 v4, v5  }
0x52: {  	v4 =	vperm.xlane v4, v2;
	_ =	sdelay $0x1  }
0x53: {  	v4 =	vadd.s32 v3, v4;
	_ =	sdelay $0x3  }
0x54: {  	s1 =	simm.s32 $0xB100  }
0x55: {  	[tilespmem:s1], [sflag:$0x2] =	stream.indirect_vreg.gather [hbm4b:s3+s2], $0x80, v4, vm0, $0xb8;
	[tilespmem:$0x19100] =	vst v63  }
0x56: {  	s17 =	simm.s32 $0xB900  }
0x57: {  	[tilespmem:s17], [sflag:$0x2] =	stream.indirect_vreg.gather [hbm4b:s7+s2], $0x80, v4, vm0, $0xb8;
	[tilespmem:$0x19100] =	vst v63  }
0x58: {  	s19 =	simm.s32 $0xC100  }
0x59: {  	[tilespmem:s19], [sflag:$0x2] =	stream.indirect_vreg.gather [hbm4b:s9+s2], $0x80, v4, vm0, $0xb8;
	[tilespmem:$0x19100] =	vst v63  }
0x5a: {  	s26 =	simm.s32 $0xC900  }
0x5b: {  	[tilespmem:s26], [sflag:$0x2] =	stream.indirect_vreg.gather [hbm4b:s10+s2], $0x80, v4, vm0, $0xb8;
	[tilespmem:$0x19100] =	vst v63  }
0x5c: {  	v4 =	vld.msk [tilespmem:$0x10], $0xff;
	_ =	sdelay $0x4  }
0x5d: {  	v5 =	vshll.u32 v4, $0x3  }
0x5e: {  	v4 =	vand.u32 $0x7, v4;
	v5 =	vand.u32 $0xFFFFFFC0, v5  }
0x5f: {  	v4 =	vor.u32 v4, v5  }
0x60: {  	v4 =	vperm.xlane v4, v2;
	_ =	sdelay $0x1  }
0x61: {  	v4 =	vadd.s32 v3, v4;
	_ =	sdelay $0x3  }
0x62: {  	s31 =	simm.s32 $0x5100  }
0x63: {  	[tilespmem:s31], [sflag:$0x3] =	stream.indirect_vreg.gather [hbm4b:s3+s2], $0x80, v4, vm0, $0xb8;
	[tilespmem:$0x19100] =	vst v63  }
0x64: {  	s1 =	simm.s32 $0x5900  }
0x65: {  	[tilespmem:s1], [sflag:$0x3] =	stream.indirect_vreg.gather [hbm4b:s7+s2], $0x80, v4, vm0, $0xb8;
	[tilespmem:$0x19100] =	vst v63  }
0x66: {  	s17 =	simm.s32 $0x6100  }
0x67: {  	[tilespmem:s17], [sflag:$0x3] =	stream.indirect_vreg.gather [hbm4b:s9+s2], $0x80, v4, vm0, $0xb8;
	[tilespmem:$0x19100] =	vst v63  }
0x68: {  	s19 =	simm.s32 $0x6900  }
0x69: {  	[tilespmem:s19], [sflag:$0x3] =	stream.indirect_vreg.gather [hbm4b:s10+s2], $0x80, v4, vm0, $0xb8;
	[tilespmem:$0x19100] =	vst v63  }
0x6a: {  	v4 =	vld.msk [tilespmem:$0x90], $0xff;
	_ =	sdelay $0x4  }
0x6b: {  	v5 =	vshll.u32 v4, $0x3  }
0x6c: {  	v4 =	vand.u32 $0x7, v4;
	v5 =	vand.u32 $0xFFFFFFC0, v5  }
0x6d: {  	v4 =	vor.u32 v4, v5  }
0x6e: {  	v4 =	vperm.xlane v4, v2;
	_ =	sdelay $0x1  }
0x6f: {  	v4 =	vadd.s32 v3, v4;
	_ =	sdelay $0x3  }
0x70: {  	s26 =	simm.s32 $0xD100  }
0x71: {  	[tilespmem:s26], [sflag:$0x3] =	stream.indirect_vreg.gather [hbm4b:s3+s2], $0x80, v4, vm0, $0xb8;
	[tilespmem:$0x19100] =	vst v63  }
0x72: {  	s31 =	simm.s32 $0xD900  }
0x73: {  	[tilespmem:s31], [sflag:$0x3] =	stream.indirect_vreg.gather [hbm4b:s7+s2], $0x80, v4, vm0, $0xb8;
	[tilespmem:$0x19100] =	vst v63  }
0x74: {  	s1 =	simm.s32 $0xE100  }
0x75: {  	[tilespmem:s1], [sflag:$0x3] =	stream.indirect_vreg.gather [hbm4b:s9+s2], $0x80, v4, vm0, $0xb8;
	[tilespmem:$0x19100] =	vst v63  }
0x76: {  	s17 =	simm.s32 $0xE900  }
0x77: {  	[tilespmem:s17], [sflag:$0x3] =	stream.indirect_vreg.gather [hbm4b:s10+s2], $0x80, v4, vm0, $0xb8;
	[tilespmem:$0x19100] =	vst v63  }
0x78: {  	v4 =	vld.msk [tilespmem:$0x18], $0xff;
	_ =	sdelay $0x4  }
0x79: {  	v5 =	vshll.u32 v4, $0x3  }
0x7a: {  	v4 =	vand.u32 $0x7, v4;
	v5 =	vand.u32 $0xFFFFFFC0, v5  }
0x7b: {  	v4 =	vor.u32 v4, v5  }
0x7c: {  	v4 =	vperm.xlane v4, v2;
	_ =	sdelay $0x1  }
0x7d: {  	v4 =	vadd.s32 v3, v4;
	_ =	sdelay $0x3  }
0x7e: {  	s19 =	simm.s32 $0x7100  }
0x7f: {  	[tilespmem:s19], [sflag:$0x4] =	stream.indirect_vreg.gather [hbm4b:s3+s2], $0x80, v4, vm0, $0xb8;
	[tilespmem:$0x19100] =	vst v63  }
0x80: {  	s26 =	simm.s32 $0x7900  }
0x81: {  	[tilespmem:s26], [sflag:$0x4] =	stream.indirect_vreg.gather [hbm4b:s7+s2], $0x80, v4, vm0, $0xb8;
	[tilespmem:$0x19100] =	vst v63  }
0x82: {  	s31 =	simm.s32 $0x8100  }
0x83: {  	[tilespmem:s31], [sflag:$0x4] =	stream.indirect_vreg.gather [hbm4b:s9+s2], $0x80, v4, vm0, $0xb8;
	[tilespmem:$0x19100] =	vst v63  }
0x84: {  	s1 =	simm.s32 $0x8900  }
0x85: {  	[tilespmem:s1], [sflag:$0x4] =	stream.indirect_vreg.gather [hbm4b:s10+s2], $0x80, v4, vm0, $0xb8;
	[tilespmem:$0x19100] =	vst v63  }
0x86: {  	v4 =	vld.msk [tilespmem:$0x98], $0xff;
	_ =	sdelay $0x4  }
0x87: {  	v5 =	vshll.u32 v4, $0x3  }
0x88: {  	v4 =	vand.u32 $0x7, v4;
	v5 =	vand.u32 $0xFFFFFFC0, v5  }
0x89: {  	v4 =	vor.u32 v4, v5  }
0x8a: {  	v4 =	vperm.xlane v4, v2;
	_ =	sdelay $0x1  }
0x8b: {  	v4 =	vadd.s32 v3, v4;
	_ =	sdelay $0x3  }
0x8c: {  	s17 =	simm.s32 $0xF100  }
0x8d: {  	[tilespmem:s17], [sflag:$0x4] =	stream.indirect_vreg.gather [hbm4b:s3+s2], $0x80, v4, vm0, $0xb8;
	[tilespmem:$0x19100] =	vst v63  }
0x8e: {  	s19 =	simm.s32 $0xF900  }
0x8f: {  	[tilespmem:s19], [sflag:$0x4] =	stream.indirect_vreg.gather [hbm4b:s7+s2], $0x80, v4, vm0, $0xb8;
	[tilespmem:$0x19100] =	vst v63  }
0x90: {  	s26 =	simm.s32 $0x10100  }
0x91: {  	[tilespmem:s26], [sflag:$0x4] =	stream.indirect_vreg.gather [hbm4b:s9+s2], $0x80, v4, vm0, $0xb8;
	[tilespmem:$0x19100] =	vst v63  }
0x92: {  	s31 =	simm.s32 $0x10900  }
0x93: {  	[tilespmem:s31], [sflag:$0x4] =	stream.indirect_vreg.gather [hbm4b:s10+s2], $0x80, v4, vm0, $0xb8;
	[tilespmem:$0x19100] =	vst v63  }
0x94: {  	_ =	swait.ge [sflag:s15], $0x2000  }
0x95: {  	[sflag:s15] =	ssyncset.done $0x0  }
0x96: {  	[sflag:s15] =	ssyncadd.s32 $0xFFFFE000  }
0x97: {  	_ =	swait.ge [sflag:s15], $0x2000  }
0x98: {  	s28 =	simm.s32 $0x9500;
	s29 =	simm.s32 $0x11500;
	[sflag:s15] =	ssyncset.done $0x0  }
0x99: {  	s30 =	simm.s32 $0x0;
	s26 =	simm.s32 $0x1500;
	[sflag:s15] =	ssyncadd.s32 $0xFFFFE000  }
.LBB2_2:
0x9a: {  	v6 =	vld [tilespmem:s26+$0x70]  }
0x9b: {  	v7 =	vld [tilespmem:s28+$0x70]  }
0x9c: {  	v5 =	vld [tilespmem:s28+$0xFFFFFC00]  }
0x9d: {  	v8 =	vld [tilespmem:s26+$0xFFFFFC10]  }
0x9e: {  	v9 =	vld [tilespmem:s28+$0xFFFFFC10]  }
0x9f: {  	v10 =	vld [tilespmem:s26+$0xFFFFFC20]  }
0xa0: {  	v11 =	vld [tilespmem:s28+$0xFFFFFC20]  }
0xa1: {  	v12 =	vld [tilespmem:s26+$0xFFFFFC30]  }
0xa2: {  	v13 =	vld [tilespmem:s28+$0xFFFFFC30]  }
0xa3: {  	v14 =	vld [tilespmem:s26+$0xFFFFFC40]  }
0xa4: {  	v15 =	vld [tilespmem:s28+$0xFFFFFC40]  }
0xa5: {  	v16 =	vld [tilespmem:s26+$0xFFFFFC50]  }
0xa6: {  	v17 =	vld [tilespmem:s28+$0xFFFFFC50]  }
0xa7: {  	s0 =	sshll.u32 s30, $0x7;
	v18 =	vld [tilespmem:s26+$0xFFFFFC60]  }
0xa8: {  	v19 =	vld [tilespmem:s28+$0xFFFFFC60];
	s0 =	sand.u32 $0x3FFFFF80, s0  }
0xa9: {  	v4 =	vld [tilespmem:s0+$0x100]  }
0xaa: {  	v20 =	vld [tilespmem:s26+$0xFFFFFC70]  }
0xab: {  	v21 =	vld [tilespmem:s28+$0xFFFFFC70]  }
0xac: {  	v6 =	vsub.f32 v6, v7;
	v7 =	vld [tilespmem:s26+$0x0]  }
0xad: {  	v8 =	vsub.f32 v8, v9;
	v9 =	vld [tilespmem:s28+$0x0]  }
0xae: {  	v10 =	vsub.f32 v10, v11;
	v11 =	vld [tilespmem:s26+$0x10];
	v6 =	vmul.f32 v6, v4  }
0xaf: {  	v12 =	vsub.f32 v12, v13;
	v13 =	vld [tilespmem:s28+$0x10];
	v8 =	vmul.f32 v8, v4  }
0xb0: {  	[tilespmem:s29+$0x70] =	vst v6;
	v6 =	vmul.f32 v10, v4;
	v10 =	vsub.f32 v14, v15;
	v14 =	vld [tilespmem:s26+$0x20]  }
0xb1: {  	[tilespmem:s29+$0xFFFFFC10] =	vst v8;
	v8 =	vmul.f32 v12, v4;
	v12 =	vsub.f32 v16, v17;
	v15 =	vld [tilespmem:s28+$0x20]  }
0xb2: {  	v61 =	vld [tilespmem:s26+$0x30];
	[tilespmem:s29+$0xFFFFFC20] =	vst v6;
	v6 =	vmul.f32 v10, v4;
	v10 =	vsub.f32 v18, v19  }
0xb3: {  	v62 =	vld [tilespmem:s28+$0x30];
	[tilespmem:s29+$0xFFFFFC30] =	vst v8;
	v8 =	vmul.f32 v12, v4;
	v12 =	vsub.f32 v20, v21  }
0xb4: {  	v63 =	vld [tilespmem:s26+$0x40];
	v7 =	vsub.f32 v7, v9;
	[tilespmem:s29+$0xFFFFFC40] =	vst v6;
	v6 =	vmul.f32 v10, v4  }
0xb5: {  	v9 =	vsub.f32 v11, v13;
	[tilespmem:s29+$0xFFFFFC50] =	vst v8;
	v8 =	vmul.f32 v12, v4;
	v12 =	vld [tilespmem:s28+$0x40]  }
0xb6: {  	v7 =	vmul.f32 v7, v4;
	v10 =	vsub.f32 v14, v15;
	[tilespmem:s29+$0xFFFFFC60] =	vst v6;
	v6 =	vld [tilespmem:s26+$0x50]  }
0xb7: {  	v9 =	vmul.f32 v9, v4;
	[tilespmem:s29+$0xFFFFFC70] =	vst v8;
	v8 =	vld [tilespmem:s28+$0x50]  }
0xb8: {  	v13 =	vsub.f32 v61, v62;
	[tilespmem:s29+$0x0] =	vst v7;
	v7 =	vld [tilespmem:s26+$0x60];
	v11 =	vmul.f32 v10, v4  }
0xb9: {  	s31 =	simm.s32 $0x0;
	[tilespmem:s29+$0x10] =	vst v9;
	v10 =	vld [tilespmem:s28+$0x60]  }
0xba: {  	s1 =	sadd.s32 $0x800, s26;
	s17 =	smov.u32 s28;
	s0 =	smov.u32 s29;
	v9 =	vld [tilespmem:s26+$0xFFFFFC00];
	[tilespmem:s29+$0x20] =	vst v11;
	v11 =	vmul.f32 v13, v4;
	v12 =	vsub.f32 v63, v12  }
.LBB2_3:
0xbb: {  	v13 =	vld [tilespmem:s1+$0x70];
	s17 =	sadd.s32 $0x800, s17  }
0xbc: {  	s31 =	sadd.s32 $0x10, s31;
	v14 =	vld [tilespmem:s17+$0x70];
	[tilespmem:s0+$0x30] =	vst v11;
	v11 =	vmul.f32 v12, v4;
	v6 =	vsub.f32 v6, v8  }
0xbd: {  	p0 =	slt.u32 s31, $0x30;
	v8 =	vld [tilespmem:s17+$0xFFFFFC00]  }
0xbe: {  	v12 =	vld [tilespmem:s1+$0xFFFFFC10];
	[tilespmem:s0+$0x40] =	vst v11;
	v6 =	vmul.f32 v6, v4;
	v7 =	vsub.f32 v7, v10  }
0xbf: {  	v10 =	vld [tilespmem:s17+$0xFFFFFC10];
	v15 =	vsub.f32 v9, v5  }
0xc0: {  	v9 =	vld [tilespmem:s1+$0xFFFFFC20];
	[tilespmem:s0+$0x50] =	vst v6;
	v6 =	vmul.f32 v7, v4  }
0xc1: {  	v7 =	vld [tilespmem:s17+$0xFFFFFC20];
	v11 =	vsub.f32 v13, v14;
	v13 =	vmul.f32 v15, v4  }
0xc2: {  	v14 =	vld [tilespmem:s1+$0xFFFFFC30];
	[tilespmem:s0+$0x60] =	vst v6;
	v5 =	vmov v8  }
0xc3: {  	v6 =	vld [tilespmem:s17+$0xFFFFFC30];
	v8 =	vmul.f32 v11, v4;
	[tilespmem:s0+$0xFFFFFC00] =	vst v13  }
0xc4: {  	s0 =	sadd.s32 $0x800, s0;
	v10 =	vsub.f32 v12, v10;
	v11 =	vld [tilespmem:s1+$0xFFFFFC40]  }
0xc5: {  	v12 =	vld [tilespmem:s17+$0xFFFFFC40];
	[tilespmem:s0+$0x70] =	vst v8  }
0xc6: {  	v8 =	vmul.f32 v10, v4;
	v7 =	vsub.f32 v9, v7;
	v9 =	vld [tilespmem:s1+$0xFFFFFC50]  }
0xc7: {  	v10 =	vld [tilespmem:s17+$0xFFFFFC50]  }
0xc8: {  	[tilespmem:s0+$0xFFFFFC10] =	vst v8;
	v7 =	vmul.f32 v7, v4;
	v6 =	vsub.f32 v14, v6;
	v8 =	vld [tilespmem:s1+$0xFFFFFC60]  }
0xc9: {  	v13 =	vld [tilespmem:s17+$0xFFFFFC60]  }
0xca: {  	[tilespmem:s0+$0xFFFFFC20] =	vst v7;
	v6 =	vmul.f32 v6, v4;
	v7 =	vsub.f32 v11, v12;
	v11 =	vld [tilespmem:s1+$0xFFFFFC70]  }
0xcb: {  	v12 =	vld [tilespmem:s17+$0xFFFFFC70]  }
0xcc: {  	[tilespmem:s0+$0xFFFFFC30] =	vst v6;
	v6 =	vmul.f32 v7, v4;
	v7 =	vsub.f32 v9, v10;
	v9 =	vld [tilespmem:s1+$0x0]  }
0xcd: {  	v10 =	vld [tilespmem:s17+$0x0]  }
0xce: {  	[tilespmem:s0+$0xFFFFFC40] =	vst v6;
	v6 =	vmul.f32 v7, v4;
	v7 =	vsub.f32 v8, v13;
	v8 =	vld [tilespmem:s1+$0x10]  }
0xcf: {  	v13 =	vld [tilespmem:s17+$0x10]  }
0xd0: {  	[tilespmem:s0+$0xFFFFFC50] =	vst v6;
	v6 =	vmul.f32 v7, v4;
	v7 =	vsub.f32 v11, v12;
	v11 =	vld [tilespmem:s1+$0x20]  }
0xd1: {  	v12 =	vld [tilespmem:s17+$0x20]  }
0xd2: {  	[tilespmem:s0+$0xFFFFFC60] =	vst v6;
	v6 =	vmul.f32 v7, v4;
	v7 =	vsub.f32 v9, v10;
	v9 =	vld [tilespmem:s1+$0x30]  }
0xd3: {  	v10 =	vld [tilespmem:s17+$0x30]  }
0xd4: {  	[tilespmem:s0+$0xFFFFFC70] =	vst v6;
	v6 =	vmul.f32 v7, v4;
	v7 =	vsub.f32 v8, v13;
	v13 =	vld [tilespmem:s1+$0x40]  }
0xd5: {  	v14 =	vld [tilespmem:s17+$0x40]  }
.Ltmp0:
0xd6: {  	[tilespmem:s0+$0x0] =	vst v6;
	v7 =	vmul.f32 v7, v4;
	v11 =	vsub.f32 v11, v12;
	v6 =	vld [tilespmem:s1+$0x50];
	(pc) =	sbr.rel @p0 .LBB2_3-.Ltmp0, $4  }
0xd7: {  	v8 =	vld [tilespmem:s17+$0x50]  }
0xd8: {  	[tilespmem:s0+$0x10] =	vst v7;
	v11 =	vmul.f32 v11, v4;
	v12 =	vsub.f32 v9, v10;
	v7 =	vld [tilespmem:s1+$0x60]  }
0xd9: {  	v10 =	vld [tilespmem:s17+$0x60]  }
0xda: {  	v9 =	vld [tilespmem:s1+$0xFFFFFC00];
	[tilespmem:s0+$0x20] =	vst v11;
	v11 =	vmul.f32 v12, v4;
	v12 =	vsub.f32 v13, v14;
	s1 =	sadd.s32 $0x800, s1  }
0xdb: {  	_ =	sdelay $0x1  }
0xdc: {  	s30 =	sadd.s32 $0x1, s30;
	v6 =	vsub.f32 v6, v8  }
0xdd: {  	v63 =	vmul.f32 v12, v4;
	p0 =	sne.s32 s30, $0x8;
	v7 =	vsub.f32 v7, v10  }
.Ltmp1:
0xde: {  	[tilespmem:s0+$0x30] =	vst v11;
	v6 =	vmul.f32 v6, v4;
	v5 =	vsub.f32 v9, v5;
	(pc) =	sbr.rel @p0 .LBB2_2-.Ltmp1, $4  }
0xdf: {  	[tilespmem:s0+$0x40] =	vst v63;
	v7 =	vmul.f32 v7, v4  }
0xe0: {  	[tilespmem:s0+$0x50] =	vst v6;
	v4 =	vmul.f32 v5, v4  }
0xe1: {  	[tilespmem:s0+$0x60] =	vst v7  }
0xe2: {  	s26 =	sadd.s32 $0x80, s26;
	s28 =	sadd.s32 $0x80, s28;
	s29 =	sadd.s32 $0x80, s29;
	[tilespmem:s0+$0xFFFFFC00] =	vst v4  }
0xe3: {  	s0 =	simm.s32 $0x11100  }
0xe4: {  	[hbm4b:s8+s2] =	stream.linear.scatter [tilespmem:s0], [sflag:$0x5], $0x2000, $0x38;
	[tilespmem:$0x19100] =	vst v63  }
0xe5: {  	_ =	swait.ge [sflag:s18], $0x2000  }
0xe6: {  	[sflag:s18] =	ssyncset.done $0x0  }
0xe7: {  	[sflag:s18] =	ssyncadd.s32 $0xFFFFE000  }
0xe8: {  	s26 =	simm.s32 $0x8;
	_ =	swait.ge [sflag:s18], $0x2000  }
0xe9: {  	s28 =	simm.s32 $0x2000;
	s19 =	simm.s32 $0x9100;
	[sflag:s18] =	ssyncset.done $0x0  }
0xea: {  	s31 =	simm.s32 $0x1100;
	s0 =	simm.s32 $0x11500;
	[sflag:s18] =	ssyncadd.s32 $0xFFFFE000  }
.LBB2_6:
0xeb: {  	s1 =	sshll.u32 s28, $0x2  }
0xec: {  	s1 =	sand.u32 $0xFFFF8000, s1  }
0xed: {  	s1 =	sshra.s32 s1, $0x2  }
0xee: {  	v4 =	vmov s1;
	_ =	sdelay $0x1  }
0xef: {  	s17 =	sshll.u32 s26, $0x7  }
0xf0: {  	s1 =	sand.u32 $0x3FFFFF80, s17  }
0xf1: {  	v5 =	vld [tilespmem:s1+$0x100]  }
0xf2: {  	v7 =	vld.idx.msk [tilespmem:v4+s31+$0x470 ss:$0x1], $0xffff  }
0xf3: {  	v8 =	vld.idx.msk [tilespmem:v4+s19+$0x470 ss:$0x1], $0xffff  }
0xf4: {  	v6 =	vld.idx.msk [tilespmem:v4+s19+$0x0 ss:$0x1], $0xffff  }
0xf5: {  	v9 =	vld.idx.msk [tilespmem:v4+s31+$0x10 ss:$0x1], $0xffff  }
0xf6: {  	v10 =	vld.idx.msk [tilespmem:v4+s19+$0x10 ss:$0x1], $0xffff  }
0xf7: {  	v11 =	vld.idx.msk [tilespmem:v4+s31+$0x20 ss:$0x1], $0xffff  }
0xf8: {  	v12 =	vld.idx.msk [tilespmem:v4+s19+$0x20 ss:$0x1], $0xffff  }
0xf9: {  	v13 =	vld.idx.msk [tilespmem:v4+s31+$0x30 ss:$0x1], $0xffff  }
0xfa: {  	v14 =	vld.idx.msk [tilespmem:v4+s19+$0x30 ss:$0x1], $0xffff  }
0xfb: {  	v15 =	vld.idx.msk [tilespmem:v4+s31+$0x40 ss:$0x1], $0xffff  }
0xfc: {  	v16 =	vld.idx.msk [tilespmem:v4+s19+$0x40 ss:$0x1], $0xffff  }
0xfd: {  	v17 =	vld.idx.msk [tilespmem:v4+s31+$0x50 ss:$0x1], $0xffff  }
0xfe: {  	v18 =	vld.idx.msk [tilespmem:v4+s19+$0x50 ss:$0x1], $0xffff  }
0xff: {  	v19 =	vld.idx.msk [tilespmem:v4+s31+$0x60 ss:$0x1], $0xffff  }
0x100: {  	v20 =	vld.idx.msk [tilespmem:v4+s19+$0x60 ss:$0x1], $0xffff  }
0x101: {  	v21 =	vld.idx.msk [tilespmem:v4+s31+$0x70 ss:$0x1], $0xffff  }
0x102: {  	v22 =	vld.idx.msk [tilespmem:v4+s19+$0x70 ss:$0x1], $0xffff  }
0x103: {  	v23 =	vld.idx.msk [tilespmem:v4+s31+$0x400 ss:$0x1], $0xffff;
	v7 =	vsub.f32 v7, v8  }
0x104: {  	v24 =	vld.idx.msk [tilespmem:v4+s31+$0x410 ss:$0x1], $0xffff;
	v9 =	vsub.f32 v9, v10  }
0x105: {  	v8 =	vld.idx.msk [tilespmem:v4+s19+$0x400 ss:$0x1], $0xffff;
	v7 =	vmul.f32 v7, v5  }
0x106: {  	v10 =	vsub.f32 v11, v12;
	v12 =	vsub.f32 v13, v14;
	v13 =	vld.idx.msk [tilespmem:v4+s31+$0x420 ss:$0x1], $0xffff;
	v9 =	vmul.f32 v9, v5  }
0x107: {  	v14 =	vld.idx.msk [tilespmem:v4+s19+$0x420 ss:$0x1], $0xffff;
	[tilespmem:v4+s0+$0x70 ss:$0x1] =	vst.idx.msk $0xffff, v7  }
0x108: {  	v11 =	vld.idx.msk [tilespmem:v4+s19+$0x410 ss:$0x1], $0xffff;
	v7 =	vmul.f32 v10, v5;
	v10 =	vsub.f32 v15, v16;
	[tilespmem:v4+s0+$0xFFFFFC10 ss:$0x1] =	vst.idx.msk $0xffff, v9  }
0x109: {  	v9 =	vmul.f32 v12, v5;
	v12 =	vsub.f32 v17, v18;
	v15 =	vld.idx.msk [tilespmem:v4+s31+$0x430 ss:$0x1], $0xffff;
	v16 =	vsub.f32 v19, v20  }
0x10a: {  	v17 =	vld.idx.msk [tilespmem:v4+s19+$0x430 ss:$0x1], $0xffff;
	v62 =	vsub.f32 v23, v8;
	[tilespmem:v4+s0+$0xFFFFFC20 ss:$0x1] =	vst.idx.msk $0xffff, v7;
	v10 =	vmul.f32 v10, v5  }
0x10b: {  	v8 =	vld.idx.msk [tilespmem:v4+s31+$0x450 ss:$0x1], $0xffff;
	[tilespmem:v4+s0+$0xFFFFFC30 ss:$0x1] =	vst.idx.msk $0xffff, v9;
	v9 =	vmul.f32 v12, v5;
	v12 =	vsub.f32 v21, v22  }
0x10c: {  	v13 =	vsub.f32 v13, v14;
	v7 =	vld.idx.msk [tilespmem:v4+s31+$0x440 ss:$0x1], $0xffff;
	v16 =	vmul.f32 v16, v5;
	[tilespmem:v4+s0+$0xFFFFFC40 ss:$0x1] =	vst.idx.msk $0xffff, v10  }
0x10d: {  	v10 =	vld.idx.msk [tilespmem:v4+s19+$0x440 ss:$0x1], $0xffff;
	[tilespmem:v4+s0+$0xFFFFFC50 ss:$0x1] =	vst.idx.msk $0xffff, v9;
	v9 =	vmul.f32 v12, v5;
	v12 =	vsub.f32 v24, v11  }
0x10e: {  	v14 =	vmul.f32 v13, v5;
	v13 =	vld.idx.msk [tilespmem:v4+s31+$0x0 ss:$0x1], $0xffff;
	[tilespmem:v4+s0+$0xFFFFFC60 ss:$0x1] =	vst.idx.msk $0xffff, v16;
	v16 =	vmul.f32 v62, v5  }
0x10f: {  	v11 =	vld.idx.msk [tilespmem:v4+s19+$0x450 ss:$0x1], $0xffff;
	[tilespmem:v4+s0+$0xFFFFFC70 ss:$0x1] =	vst.idx.msk $0xffff, v9;
	v63 =	vmul.f32 v12, v5  }
0x110: {  	s29 =	smov.u32 s0;
	v15 =	vsub.f32 v15, v17;
	v9 =	vld.idx.msk [tilespmem:v4+s31+$0x460 ss:$0x1], $0xffff;
	[tilespmem:v4+s0+$0x0 ss:$0x1] =	vst.idx.msk $0xffff, v16  }
0x111: {  	s30 =	smov.u32 s19;
	s17 =	sadd.s32 $0x800, s31;
	s1 =	simm.s32 $0x0;
	v12 =	vld.idx.msk [tilespmem:v4+s19+$0x460 ss:$0x1], $0xffff;
	[tilespmem:v4+s0+$0x10 ss:$0x1] =	vst.idx.msk $0xffff, v63  }
.LBB2_7:
0x112: {  	v16 =	vld.idx.msk [tilespmem:v4+s17+$0x470 ss:$0x1], $0xffff;
	[tilespmem:v4+s29+$0x20 ss:$0x1] =	vst.idx.msk $0xffff, v14;
	v14 =	vmul.f32 v15, v5;
	v7 =	vsub.f32 v7, v10;
	s30 =	sadd.s32 $0x800, s30  }
0x113: {  	s1 =	sadd.s32 $0x10, s1;
	v10 =	vld.idx.msk [tilespmem:v4+s30+$0x470 ss:$0x1], $0xffff  }
0x114: {  	p0 =	slt.u32 s1, $0x30;
	v8 =	vsub.f32 v8, v11;
	v15 =	vld.idx.msk [tilespmem:v4+s30+$0x0 ss:$0x1], $0xffff;
	[tilespmem:v4+s29+$0x30 ss:$0x1] =	vst.idx.msk $0xffff, v14;
	v7 =	vmul.f32 v7, v5  }
0x115: {  	v11 =	vld.idx.msk [tilespmem:v4+s17+$0x10 ss:$0x1], $0xffff  }
0x116: {  	v14 =	vld.idx.msk [tilespmem:v4+s30+$0x10 ss:$0x1], $0xffff;
	[tilespmem:v4+s29+$0x40 ss:$0x1] =	vst.idx.msk $0xffff, v7;
	v7 =	vmul.f32 v8, v5;
	v8 =	vsub.f32 v9, v12  }
0x117: {  	v17 =	vsub.f32 v13, v6;
	v9 =	vld.idx.msk [tilespmem:v4+s17+$0x20 ss:$0x1], $0xffff  }
0x118: {  	v12 =	vld.idx.msk [tilespmem:v4+s30+$0x20 ss:$0x1], $0xffff;
	[tilespmem:v4+s29+$0x50 ss:$0x1] =	vst.idx.msk $0xffff, v7;
	v7 =	vmul.f32 v8, v5  }
0x119: {  	v10 =	vsub.f32 v16, v10;
	v13 =	vmul.f32 v17, v5;
	v8 =	vld.idx.msk [tilespmem:v4+s17+$0x30 ss:$0x1], $0xffff  }
0x11a: {  	v6 =	vmov v15;
	v16 =	vld.idx.msk [tilespmem:v4+s30+$0x30 ss:$0x1], $0xffff;
	[tilespmem:v4+s29+$0x60 ss:$0x1] =	vst.idx.msk $0xffff, v7  }
0x11b: {  	v10 =	vmul.f32 v10, v5;
	v7 =	vld.idx.msk [tilespmem:v4+s17+$0x40 ss:$0x1], $0xffff;
	[tilespmem:v4+s29+$0xFFFFFC00 ss:$0x1] =	vst.idx.msk $0xffff, v13  }
0x11c: {  	v11 =	vsub.f32 v11, v14;
	s29 =	sadd.s32 $0x800, s29;
	v13 =	vld.idx.msk [tilespmem:v4+s30+$0x40 ss:$0x1], $0xffff  }
0x11d: {  	v14 =	vld.idx.msk [tilespmem:v4+s17+$0x50 ss:$0x1], $0xffff;
	[tilespmem:v4+s29+$0x70 ss:$0x1] =	vst.idx.msk $0xffff, v10  }
0x11e: {  	v10 =	vmul.f32 v11, v5;
	v9 =	vsub.f32 v9, v12;
	v11 =	vld.idx.msk [tilespmem:v4+s30+$0x50 ss:$0x1], $0xffff  }
0x11f: {  	v12 =	vld.idx.msk [tilespmem:v4+s17+$0x60 ss:$0x1], $0xffff  }
0x120: {  	v9 =	vmul.f32 v9, v5;
	v8 =	vsub.f32 v8, v16;
	[tilespmem:v4+s29+$0xFFFFFC10 ss:$0x1] =	vst.idx.msk $0xffff, v10;
	v10 =	vld.idx.msk [tilespmem:v4+s30+$0x60 ss:$0x1], $0xffff  }
0x121: {  	v15 =	vld.idx.msk [tilespmem:v4+s17+$0x70 ss:$0x1], $0xffff  }
0x122: {  	v8 =	vmul.f32 v8, v5;
	v7 =	vsub.f32 v7, v13;
	[tilespmem:v4+s29+$0xFFFFFC20 ss:$0x1] =	vst.idx.msk $0xffff, v9;
	v9 =	vld.idx.msk [tilespmem:v4+s30+$0x70 ss:$0x1], $0xffff  }
0x123: {  	v13 =	vld.idx.msk [tilespmem:v4+s17+$0x400 ss:$0x1], $0xffff  }
0x124: {  	v7 =	vmul.f32 v7, v5;
	[tilespmem:v4+s29+$0xFFFFFC30 ss:$0x1] =	vst.idx.msk $0xffff, v8;
	v8 =	vsub.f32 v14, v11;
	v11 =	vld.idx.msk [tilespmem:v4+s30+$0x400 ss:$0x1], $0xffff  }
0x125: {  	v14 =	vld.idx.msk [tilespmem:v4+s17+$0x410 ss:$0x1], $0xffff  }
0x126: {  	[tilespmem:v4+s29+$0xFFFFFC40 ss:$0x1] =	vst.idx.msk $0xffff, v7;
	v7 =	vmul.f32 v8, v5;
	v8 =	vsub.f32 v12, v10;
	v10 =	vld.idx.msk [tilespmem:v4+s30+$0x410 ss:$0x1], $0xffff  }
0x127: {  	v12 =	vld.idx.msk [tilespmem:v4+s17+$0x420 ss:$0x1], $0xffff  }
0x128: {  	[tilespmem:v4+s29+$0xFFFFFC50 ss:$0x1] =	vst.idx.msk $0xffff, v7;
	v7 =	vmul.f32 v8, v5;
	v8 =	vsub.f32 v15, v9;
	v9 =	vld.idx.msk [tilespmem:v4+s30+$0x420 ss:$0x1], $0xffff  }
0x129: {  	v15 =	vld.idx.msk [tilespmem:v4+s17+$0x430 ss:$0x1], $0xffff  }
0x12a: {  	v11 =	vsub.f32 v13, v11;
	[tilespmem:v4+s29+$0xFFFFFC60 ss:$0x1] =	vst.idx.msk $0xffff, v7;
	v8 =	vmul.f32 v8, v5;
	v13 =	vld.idx.msk [tilespmem:v4+s30+$0x430 ss:$0x1], $0xffff  }
0x12b: {  	v7 =	vld.idx.msk [tilespmem:v4+s17+$0x440 ss:$0x1], $0xffff  }
0x12c: {  	v11 =	vmul.f32 v11, v5;
	v14 =	vsub.f32 v14, v10;
	[tilespmem:v4+s29+$0xFFFFFC70 ss:$0x1] =	vst.idx.msk $0xffff, v8;
	v10 =	vld.idx.msk [tilespmem:v4+s30+$0x440 ss:$0x1], $0xffff  }
.Ltmp2:
0x12d: {  	v8 =	vld.idx.msk [tilespmem:v4+s17+$0x450 ss:$0x1], $0xffff;
	(pc) =	sbr.rel @p0 .LBB2_7-.Ltmp2, $4  }
0x12e: {  	v14 =	vmul.f32 v14, v5;
	v12 =	vsub.f32 v12, v9;
	[tilespmem:v4+s29+$0x0 ss:$0x1] =	vst.idx.msk $0xffff, v11;
	v11 =	vld.idx.msk [tilespmem:v4+s30+$0x450 ss:$0x1], $0xffff  }
0x12f: {  	v9 =	vld.idx.msk [tilespmem:v4+s17+$0x460 ss:$0x1], $0xffff  }
0x130: {  	v15 =	vsub.f32 v15, v13;
	[tilespmem:v4+s29+$0x10 ss:$0x1] =	vst.idx.msk $0xffff, v14;
	v14 =	vmul.f32 v12, v5;
	v12 =	vld.idx.msk [tilespmem:v4+s30+$0x460 ss:$0x1], $0xffff  }
0x131: {  	v13 =	vld.idx.msk [tilespmem:v4+s17+$0x0 ss:$0x1], $0xffff;
	s17 =	sadd.s32 $0x800, s17  }
0x132: {  	_ =	sdelay $0x1  }
0x133: {  	v7 =	vsub.f32 v7, v10  }
0x134: {  	v62 =	vmul.f32 v15, v5;
	s26 =	sadd.s32 $0x1, s26;
	v8 =	vsub.f32 v8, v11  }
0x135: {  	[tilespmem:v4+s29+$0x20 ss:$0x1] =	vst.idx.msk $0xffff, v14;
	p0 =	sne.s32 s26, $0x10;
	v7 =	vmul.f32 v7, v5;
	v9 =	vsub.f32 v9, v12  }
.Ltmp3:
0x136: {  	[tilespmem:v4+s29+$0x30 ss:$0x1] =	vst.idx.msk $0xffff, v62;
	v8 =	vmul.f32 v8, v5;
	v6 =	vsub.f32 v13, v6;
	(pc) =	sbr.rel @p0 .LBB2_6-.Ltmp3, $4  }
0x137: {  	[tilespmem:v4+s29+$0x40 ss:$0x1] =	vst.idx.msk $0xffff, v7;
	v63 =	vmul.f32 v9, v5  }
0x138: {  	[tilespmem:v4+s29+$0x50 ss:$0x1] =	vst.idx.msk $0xffff, v8;
	v5 =	vmul.f32 v6, v5  }
0x139: {  	s28 =	sadd.s32 $0x400, s28;
	[tilespmem:v4+s29+$0x60 ss:$0x1] =	vst.idx.msk $0xffff, v63  }
0x13a: {  	s0 =	sadd.s32 $0x80, s0;
	s19 =	sadd.s32 $0x80, s19;
	s31 =	sadd.s32 $0x80, s31;
	[tilespmem:v4+s29+$0xFFFFFC00 ss:$0x1] =	vst.idx.msk $0xffff, v5  }
0x13b: {  	s0 =	simm.s32 $0x13100  }
0x13c: {  	[hbm4b:s11+s2] =	stream.linear.scatter [tilespmem:s0], [sflag:$0x5], $0x2000, $0x38;
	[tilespmem:$0x19100] =	vst v63  }
0x13d: {  	_ =	swait.ge [sflag:s20], $0x2000  }
0x13e: {  	[sflag:s20] =	ssyncset.done $0x0  }
0x13f: {  	[sflag:s20] =	ssyncadd.s32 $0xFFFFE000  }
0x140: {  	s26 =	simm.s32 $0x10;
	_ =	swait.ge [sflag:s20], $0x2000  }
0x141: {  	s28 =	simm.s32 $0x4000;
	s29 =	simm.s32 $0x11500;
	[sflag:s20] =	ssyncset.done $0x0  }
0x142: {  	s30 =	simm.s32 $0x9100;
	s31 =	simm.s32 $0x1100;
	[sflag:s20] =	ssyncadd.s32 $0xFFFFE000  }
.LBB2_10:
0x143: {  	s0 =	sshll.u32 s28, $0x2  }
0x144: {  	s0 =	sand.u32 $0xFFFF8000, s0  }
0x145: {  	s0 =	sshra.s32 s0, $0x2  }
0x146: {  	v4 =	vmov s0;
	_ =	sdelay $0x1  }
0x147: {  	s19 =	sshll.u32 s26, $0x7  }
0x148: {  	s0 =	sand.u32 $0x3FFFFF80, s19  }
0x149: {  	v5 =	vld [tilespmem:s0+$0x100]  }
0x14a: {  	v7 =	vld.idx.msk [tilespmem:v4+s31+$0x470 ss:$0x1], $0xffff  }
0x14b: {  	v8 =	vld.idx.msk [tilespmem:v4+s30+$0x470 ss:$0x1], $0xffff  }
0x14c: {  	v6 =	vld.idx.msk [tilespmem:v4+s30+$0x0 ss:$0x1], $0xffff  }
0x14d: {  	v9 =	vld.idx.msk [tilespmem:v4+s31+$0x10 ss:$0x1], $0xffff  }
0x14e: {  	v10 =	vld.idx.msk [tilespmem:v4+s30+$0x10 ss:$0x1], $0xffff  }
0x14f: {  	v11 =	vld.idx.msk [tilespmem:v4+s31+$0x20 ss:$0x1], $0xffff  }
0x150: {  	v12 =	vld.idx.msk [tilespmem:v4+s30+$0x20 ss:$0x1], $0xffff  }
0x151: {  	v13 =	vld.idx.msk [tilespmem:v4+s31+$0x30 ss:$0x1], $0xffff  }
0x152: {  	v14 =	vld.idx.msk [tilespmem:v4+s30+$0x30 ss:$0x1], $0xffff  }
0x153: {  	v15 =	vld.idx.msk [tilespmem:v4+s31+$0x40 ss:$0x1], $0xffff  }
0x154: {  	v16 =	vld.idx.msk [tilespmem:v4+s30+$0x40 ss:$0x1], $0xffff  }
0x155: {  	v17 =	vld.idx.msk [tilespmem:v4+s31+$0x50 ss:$0x1], $0xffff  }
0x156: {  	v18 =	vld.idx.msk [tilespmem:v4+s30+$0x50 ss:$0x1], $0xffff  }
0x157: {  	v19 =	vld.idx.msk [tilespmem:v4+s31+$0x60 ss:$0x1], $0xffff  }
0x158: {  	v20 =	vld.idx.msk [tilespmem:v4+s30+$0x60 ss:$0x1], $0xffff  }
0x159: {  	v21 =	vld.idx.msk [tilespmem:v4+s31+$0x70 ss:$0x1], $0xffff  }
0x15a: {  	v22 =	vld.idx.msk [tilespmem:v4+s30+$0x70 ss:$0x1], $0xffff  }
0x15b: {  	v23 =	vld.idx.msk [tilespmem:v4+s31+$0x400 ss:$0x1], $0xffff;
	v7 =	vsub.f32 v7, v8  }
0x15c: {  	v24 =	vld.idx.msk [tilespmem:v4+s31+$0x410 ss:$0x1], $0xffff;
	v9 =	vsub.f32 v9, v10  }
0x15d: {  	v8 =	vld.idx.msk [tilespmem:v4+s30+$0x400 ss:$0x1], $0xffff;
	v7 =	vmul.f32 v7, v5  }
0x15e: {  	v10 =	vsub.f32 v11, v12;
	v12 =	vsub.f32 v13, v14;
	v13 =	vld.idx.msk [tilespmem:v4+s31+$0x420 ss:$0x1], $0xffff;
	v9 =	vmul.f32 v9, v5  }
0x15f: {  	v14 =	vld.idx.msk [tilespmem:v4+s30+$0x420 ss:$0x1], $0xffff;
	[tilespmem:v4+s29+$0x70 ss:$0x1] =	vst.idx.msk $0xffff, v7  }
0x160: {  	v11 =	vld.idx.msk [tilespmem:v4+s30+$0x410 ss:$0x1], $0xffff;
	v7 =	vmul.f32 v10, v5;
	v10 =	vsub.f32 v15, v16;
	[tilespmem:v4+s29+$0xFFFFFC10 ss:$0x1] =	vst.idx.msk $0xffff, v9  }
0x161: {  	v9 =	vmul.f32 v12, v5;
	v12 =	vsub.f32 v17, v18;
	v15 =	vld.idx.msk [tilespmem:v4+s31+$0x430 ss:$0x1], $0xffff;
	v16 =	vsub.f32 v19, v20  }
0x162: {  	v17 =	vld.idx.msk [tilespmem:v4+s30+$0x430 ss:$0x1], $0xffff;
	v62 =	vsub.f32 v23, v8;
	[tilespmem:v4+s29+$0xFFFFFC20 ss:$0x1] =	vst.idx.msk $0xffff, v7;
	v10 =	vmul.f32 v10, v5  }
0x163: {  	v8 =	vld.idx.msk [tilespmem:v4+s31+$0x450 ss:$0x1], $0xffff;
	[tilespmem:v4+s29+$0xFFFFFC30 ss:$0x1] =	vst.idx.msk $0xffff, v9;
	v9 =	vmul.f32 v12, v5;
	v12 =	vsub.f32 v21, v22  }
0x164: {  	v13 =	vsub.f32 v13, v14;
	v7 =	vld.idx.msk [tilespmem:v4+s31+$0x440 ss:$0x1], $0xffff;
	v16 =	vmul.f32 v16, v5;
	[tilespmem:v4+s29+$0xFFFFFC40 ss:$0x1] =	vst.idx.msk $0xffff, v10  }
0x165: {  	v10 =	vld.idx.msk [tilespmem:v4+s30+$0x440 ss:$0x1], $0xffff;
	[tilespmem:v4+s29+$0xFFFFFC50 ss:$0x1] =	vst.idx.msk $0xffff, v9;
	v9 =	vmul.f32 v12, v5;
	v12 =	vsub.f32 v24, v11  }
0x166: {  	v14 =	vmul.f32 v13, v5;
	v13 =	vld.idx.msk [tilespmem:v4+s31+$0x0 ss:$0x1], $0xffff;
	[tilespmem:v4+s29+$0xFFFFFC60 ss:$0x1] =	vst.idx.msk $0xffff, v16;
	v16 =	vmul.f32 v62, v5  }
0x167: {  	v11 =	vld.idx.msk [tilespmem:v4+s30+$0x450 ss:$0x1], $0xffff;
	[tilespmem:v4+s29+$0xFFFFFC70 ss:$0x1] =	vst.idx.msk $0xffff, v9;
	v63 =	vmul.f32 v12, v5  }
0x168: {  	s1 =	simm.s32 $0x0;
	v15 =	vsub.f32 v15, v17;
	v9 =	vld.idx.msk [tilespmem:v4+s31+$0x460 ss:$0x1], $0xffff;
	[tilespmem:v4+s29+$0x0 ss:$0x1] =	vst.idx.msk $0xffff, v16  }
0x169: {  	s17 =	sadd.s32 $0x800, s31;
	s19 =	smov.u32 s30;
	s0 =	smov.u32 s29;
	v12 =	vld.idx.msk [tilespmem:v4+s30+$0x460 ss:$0x1], $0xffff;
	[tilespmem:v4+s29+$0x10 ss:$0x1] =	vst.idx.msk $0xffff, v63  }
.LBB2_11:
0x16a: {  	v16 =	vld.idx.msk [tilespmem:v4+s17+$0x470 ss:$0x1], $0xffff;
	[tilespmem:v4+s0+$0x20 ss:$0x1] =	vst.idx.msk $0xffff, v14;
	v14 =	vmul.f32 v15, v5;
	v7 =	vsub.f32 v7, v10;
	s19 =	sadd.s32 $0x800, s19  }
0x16b: {  	s1 =	sadd.s32 $0x10, s1;
	v10 =	vld.idx.msk [tilespmem:v4+s19+$0x470 ss:$0x1], $0xffff  }
0x16c: {  	p0 =	slt.u32 s1, $0x30;
	v8 =	vsub.f32 v8, v11;
	v15 =	vld.idx.msk [tilespmem:v4+s19+$0x0 ss:$0x1], $0xffff;
	[tilespmem:v4+s0+$0x30 ss:$0x1] =	vst.idx.msk $0xffff, v14;
	v7 =	vmul.f32 v7, v5  }
0x16d: {  	v11 =	vld.idx.msk [tilespmem:v4+s17+$0x10 ss:$0x1], $0xffff  }
0x16e: {  	v14 =	vld.idx.msk [tilespmem:v4+s19+$0x10 ss:$0x1], $0xffff;
	[tilespmem:v4+s0+$0x40 ss:$0x1] =	vst.idx.msk $0xffff, v7;
	v7 =	vmul.f32 v8, v5;
	v8 =	vsub.f32 v9, v12  }
0x16f: {  	v17 =	vsub.f32 v13, v6;
	v9 =	vld.idx.msk [tilespmem:v4+s17+$0x20 ss:$0x1], $0xffff  }
0x170: {  	v12 =	vld.idx.msk [tilespmem:v4+s19+$0x20 ss:$0x1], $0xffff;
	[tilespmem:v4+s0+$0x50 ss:$0x1] =	vst.idx.msk $0xffff, v7;
	v7 =	vmul.f32 v8, v5  }
0x171: {  	v10 =	vsub.f32 v16, v10;
	v13 =	vmul.f32 v17, v5;
	v8 =	vld.idx.msk [tilespmem:v4+s17+$0x30 ss:$0x1], $0xffff  }
0x172: {  	v6 =	vmov v15;
	v16 =	vld.idx.msk [tilespmem:v4+s19+$0x30 ss:$0x1], $0xffff;
	[tilespmem:v4+s0+$0x60 ss:$0x1] =	vst.idx.msk $0xffff, v7  }
0x173: {  	v10 =	vmul.f32 v10, v5;
	v7 =	vld.idx.msk [tilespmem:v4+s17+$0x40 ss:$0x1], $0xffff;
	[tilespmem:v4+s0+$0xFFFFFC00 ss:$0x1] =	vst.idx.msk $0xffff, v13  }
0x174: {  	v11 =	vsub.f32 v11, v14;
	s0 =	sadd.s32 $0x800, s0;
	v13 =	vld.idx.msk [tilespmem:v4+s19+$0x40 ss:$0x1], $0xffff  }
0x175: {  	v14 =	vld.idx.msk [tilespmem:v4+s17+$0x50 ss:$0x1], $0xffff;
	[tilespmem:v4+s0+$0x70 ss:$0x1] =	vst.idx.msk $0xffff, v10  }
0x176: {  	v10 =	vmul.f32 v11, v5;
	v9 =	vsub.f32 v9, v12;
	v11 =	vld.idx.msk [tilespmem:v4+s19+$0x50 ss:$0x1], $0xffff  }
0x177: {  	v12 =	vld.idx.msk [tilespmem:v4+s17+$0x60 ss:$0x1], $0xffff  }
0x178: {  	v9 =	vmul.f32 v9, v5;
	v8 =	vsub.f32 v8, v16;
	[tilespmem:v4+s0+$0xFFFFFC10 ss:$0x1] =	vst.idx.msk $0xffff, v10;
	v10 =	vld.idx.msk [tilespmem:v4+s19+$0x60 ss:$0x1], $0xffff  }
0x179: {  	v15 =	vld.idx.msk [tilespmem:v4+s17+$0x70 ss:$0x1], $0xffff  }
0x17a: {  	v8 =	vmul.f32 v8, v5;
	v7 =	vsub.f32 v7, v13;
	[tilespmem:v4+s0+$0xFFFFFC20 ss:$0x1] =	vst.idx.msk $0xffff, v9;
	v9 =	vld.idx.msk [tilespmem:v4+s19+$0x70 ss:$0x1], $0xffff  }
0x17b: {  	v13 =	vld.idx.msk [tilespmem:v4+s17+$0x400 ss:$0x1], $0xffff  }
0x17c: {  	v7 =	vmul.f32 v7, v5;
	[tilespmem:v4+s0+$0xFFFFFC30 ss:$0x1] =	vst.idx.msk $0xffff, v8;
	v8 =	vsub.f32 v14, v11;
	v11 =	vld.idx.msk [tilespmem:v4+s19+$0x400 ss:$0x1], $0xffff  }
0x17d: {  	v14 =	vld.idx.msk [tilespmem:v4+s17+$0x410 ss:$0x1], $0xffff  }
0x17e: {  	[tilespmem:v4+s0+$0xFFFFFC40 ss:$0x1] =	vst.idx.msk $0xffff, v7;
	v7 =	vmul.f32 v8, v5;
	v8 =	vsub.f32 v12, v10;
	v10 =	vld.idx.msk [tilespmem:v4+s19+$0x410 ss:$0x1], $0xffff  }
0x17f: {  	v12 =	vld.idx.msk [tilespmem:v4+s17+$0x420 ss:$0x1], $0xffff  }
0x180: {  	[tilespmem:v4+s0+$0xFFFFFC50 ss:$0x1] =	vst.idx.msk $0xffff, v7;
	v7 =	vmul.f32 v8, v5;
	v8 =	vsub.f32 v15, v9;
	v9 =	vld.idx.msk [tilespmem:v4+s19+$0x420 ss:$0x1], $0xffff  }
0x181: {  	v15 =	vld.idx.msk [tilespmem:v4+s17+$0x430 ss:$0x1], $0xffff  }
0x182: {  	v11 =	vsub.f32 v13, v11;
	[tilespmem:v4+s0+$0xFFFFFC60 ss:$0x1] =	vst.idx.msk $0xffff, v7;
	v8 =	vmul.f32 v8, v5;
	v13 =	vld.idx.msk [tilespmem:v4+s19+$0x430 ss:$0x1], $0xffff  }
0x183: {  	v7 =	vld.idx.msk [tilespmem:v4+s17+$0x440 ss:$0x1], $0xffff  }
0x184: {  	v11 =	vmul.f32 v11, v5;
	v14 =	vsub.f32 v14, v10;
	[tilespmem:v4+s0+$0xFFFFFC70 ss:$0x1] =	vst.idx.msk $0xffff, v8;
	v10 =	vld.idx.msk [tilespmem:v4+s19+$0x440 ss:$0x1], $0xffff  }
.Ltmp4:
0x185: {  	v8 =	vld.idx.msk [tilespmem:v4+s17+$0x450 ss:$0x1], $0xffff;
	(pc) =	sbr.rel @p0 .LBB2_11-.Ltmp4, $4  }
0x186: {  	v14 =	vmul.f32 v14, v5;
	v12 =	vsub.f32 v12, v9;
	[tilespmem:v4+s0+$0x0 ss:$0x1] =	vst.idx.msk $0xffff, v11;
	v11 =	vld.idx.msk [tilespmem:v4+s19+$0x450 ss:$0x1], $0xffff  }
0x187: {  	v9 =	vld.idx.msk [tilespmem:v4+s17+$0x460 ss:$0x1], $0xffff  }
0x188: {  	v15 =	vsub.f32 v15, v13;
	[tilespmem:v4+s0+$0x10 ss:$0x1] =	vst.idx.msk $0xffff, v14;
	v14 =	vmul.f32 v12, v5;
	v12 =	vld.idx.msk [tilespmem:v4+s19+$0x460 ss:$0x1], $0xffff  }
0x189: {  	v13 =	vld.idx.msk [tilespmem:v4+s17+$0x0 ss:$0x1], $0xffff;
	s17 =	sadd.s32 $0x800, s17  }
0x18a: {  	_ =	sdelay $0x1  }
0x18b: {  	v7 =	vsub.f32 v7, v10  }
0x18c: {  	v62 =	vmul.f32 v15, v5;
	s26 =	sadd.s32 $0x1, s26;
	v8 =	vsub.f32 v8, v11  }
0x18d: {  	[tilespmem:v4+s0+$0x20 ss:$0x1] =	vst.idx.msk $0xffff, v14;
	p0 =	sne.s32 s26, $0x18;
	v7 =	vmul.f32 v7, v5;
	v9 =	vsub.f32 v9, v12  }
.Ltmp5:
0x18e: {  	[tilespmem:v4+s0+$0x30 ss:$0x1] =	vst.idx.msk $0xffff, v62;
	v8 =	vmul.f32 v8, v5;
	v6 =	vsub.f32 v13, v6;
	(pc) =	sbr.rel @p0 .LBB2_10-.Ltmp5, $4  }
0x18f: {  	[tilespmem:v4+s0+$0x40 ss:$0x1] =	vst.idx.msk $0xffff, v7;
	v63 =	vmul.f32 v9, v5  }
0x190: {  	[tilespmem:v4+s0+$0x50 ss:$0x1] =	vst.idx.msk $0xffff, v8;
	v5 =	vmul.f32 v6, v5  }
0x191: {  	s28 =	sadd.s32 $0x400, s28;
	[tilespmem:v4+s0+$0x60 ss:$0x1] =	vst.idx.msk $0xffff, v63  }
0x192: {  	s29 =	sadd.s32 $0x80, s29;
	s30 =	sadd.s32 $0x80, s30;
	s31 =	sadd.s32 $0x80, s31;
	[tilespmem:v4+s0+$0xFFFFFC00 ss:$0x1] =	vst.idx.msk $0xffff, v5  }
0x193: {  	[hbm4b:s12+s2] =	stream.linear.scatter [tilespmem:s21], [sflag:$0x5], $0x2000, $0x38;
	[tilespmem:$0x19100] =	vst v63  }
0x194: {  	_ =	swait.ge [sflag:s22], $0x2000  }
0x195: {  	[sflag:s22] =	ssyncset.done $0x0  }
0x196: {  	[sflag:s22] =	ssyncadd.s32 $0xFFFFE000  }
0x197: {  	s26 =	simm.s32 $0x18;
	_ =	swait.ge [sflag:s22], $0x2000  }
0x198: {  	s28 =	simm.s32 $0x6000;
	s29 =	simm.s32 $0x11500;
	[sflag:s22] =	ssyncset.done $0x0  }
0x199: {  	s30 =	simm.s32 $0x9100;
	s31 =	simm.s32 $0x1100;
	[sflag:s22] =	ssyncadd.s32 $0xFFFFE000  }
.LBB2_14:
0x19a: {  	s0 =	sshll.u32 s28, $0x2  }
0x19b: {  	s0 =	sand.u32 $0xFFFF8000, s0  }
0x19c: {  	s0 =	sshra.s32 s0, $0x2  }
0x19d: {  	v4 =	vmov s0;
	_ =	sdelay $0x1  }
0x19e: {  	s19 =	sshll.u32 s26, $0x7  }
0x19f: {  	s0 =	sand.u32 $0x3FFFFF80, s19  }
0x1a0: {  	v5 =	vld [tilespmem:s0+$0x100]  }
0x1a1: {  	v7 =	vld.idx.msk [tilespmem:v4+s31+$0x470 ss:$0x1], $0xffff  }
0x1a2: {  	v8 =	vld.idx.msk [tilespmem:v4+s30+$0x470 ss:$0x1], $0xffff  }
0x1a3: {  	v6 =	vld.idx.msk [tilespmem:v4+s30+$0x0 ss:$0x1], $0xffff  }
0x1a4: {  	v9 =	vld.idx.msk [tilespmem:v4+s31+$0x10 ss:$0x1], $0xffff  }
0x1a5: {  	v10 =	vld.idx.msk [tilespmem:v4+s30+$0x10 ss:$0x1], $0xffff  }
0x1a6: {  	v11 =	vld.idx.msk [tilespmem:v4+s31+$0x20 ss:$0x1], $0xffff  }
0x1a7: {  	v12 =	vld.idx.msk [tilespmem:v4+s30+$0x20 ss:$0x1], $0xffff  }
0x1a8: {  	v13 =	vld.idx.msk [tilespmem:v4+s31+$0x30 ss:$0x1], $0xffff  }
0x1a9: {  	v14 =	vld.idx.msk [tilespmem:v4+s30+$0x30 ss:$0x1], $0xffff  }
0x1aa: {  	v15 =	vld.idx.msk [tilespmem:v4+s31+$0x40 ss:$0x1], $0xffff  }
0x1ab: {  	v16 =	vld.idx.msk [tilespmem:v4+s30+$0x40 ss:$0x1], $0xffff  }
0x1ac: {  	v17 =	vld.idx.msk [tilespmem:v4+s31+$0x50 ss:$0x1], $0xffff  }
0x1ad: {  	v18 =	vld.idx.msk [tilespmem:v4+s30+$0x50 ss:$0x1], $0xffff  }
0x1ae: {  	v19 =	vld.idx.msk [tilespmem:v4+s31+$0x60 ss:$0x1], $0xffff  }
0x1af: {  	v20 =	vld.idx.msk [tilespmem:v4+s30+$0x60 ss:$0x1], $0xffff  }
0x1b0: {  	v21 =	vld.idx.msk [tilespmem:v4+s31+$0x70 ss:$0x1], $0xffff  }
0x1b1: {  	v22 =	vld.idx.msk [tilespmem:v4+s30+$0x70 ss:$0x1], $0xffff  }
0x1b2: {  	v23 =	vld.idx.msk [tilespmem:v4+s31+$0x400 ss:$0x1], $0xffff;
	v7 =	vsub.f32 v7, v8  }
0x1b3: {  	v24 =	vld.idx.msk [tilespmem:v4+s31+$0x410 ss:$0x1], $0xffff;
	v9 =	vsub.f32 v9, v10  }
0x1b4: {  	v8 =	vld.idx.msk [tilespmem:v4+s30+$0x400 ss:$0x1], $0xffff;
	v7 =	vmul.f32 v7, v5  }
0x1b5: {  	v10 =	vsub.f32 v11, v12;
	v12 =	vsub.f32 v13, v14;
	v13 =	vld.idx.msk [tilespmem:v4+s31+$0x420 ss:$0x1], $0xffff;
	v9 =	vmul.f32 v9, v5  }
0x1b6: {  	v14 =	vld.idx.msk [tilespmem:v4+s30+$0x420 ss:$0x1], $0xffff;
	[tilespmem:v4+s29+$0x70 ss:$0x1] =	vst.idx.msk $0xffff, v7  }
0x1b7: {  	v11 =	vld.idx.msk [tilespmem:v4+s30+$0x410 ss:$0x1], $0xffff;
	v7 =	vmul.f32 v10, v5;
	v10 =	vsub.f32 v15, v16;
	[tilespmem:v4+s29+$0xFFFFFC10 ss:$0x1] =	vst.idx.msk $0xffff, v9  }
0x1b8: {  	v9 =	vmul.f32 v12, v5;
	v12 =	vsub.f32 v17, v18;
	v15 =	vld.idx.msk [tilespmem:v4+s31+$0x430 ss:$0x1], $0xffff;
	v16 =	vsub.f32 v19, v20  }
0x1b9: {  	v17 =	vld.idx.msk [tilespmem:v4+s30+$0x430 ss:$0x1], $0xffff;
	v62 =	vsub.f32 v23, v8;
	[tilespmem:v4+s29+$0xFFFFFC20 ss:$0x1] =	vst.idx.msk $0xffff, v7;
	v10 =	vmul.f32 v10, v5  }
0x1ba: {  	v8 =	vld.idx.msk [tilespmem:v4+s31+$0x450 ss:$0x1], $0xffff;
	[tilespmem:v4+s29+$0xFFFFFC30 ss:$0x1] =	vst.idx.msk $0xffff, v9;
	v9 =	vmul.f32 v12, v5;
	v12 =	vsub.f32 v21, v22  }
0x1bb: {  	v13 =	vsub.f32 v13, v14;
	v7 =	vld.idx.msk [tilespmem:v4+s31+$0x440 ss:$0x1], $0xffff;
	v16 =	vmul.f32 v16, v5;
	[tilespmem:v4+s29+$0xFFFFFC40 ss:$0x1] =	vst.idx.msk $0xffff, v10  }
0x1bc: {  	v10 =	vld.idx.msk [tilespmem:v4+s30+$0x440 ss:$0x1], $0xffff;
	[tilespmem:v4+s29+$0xFFFFFC50 ss:$0x1] =	vst.idx.msk $0xffff, v9;
	v9 =	vmul.f32 v12, v5;
	v12 =	vsub.f32 v24, v11  }
0x1bd: {  	v14 =	vmul.f32 v13, v5;
	v13 =	vld.idx.msk [tilespmem:v4+s31+$0x0 ss:$0x1], $0xffff;
	[tilespmem:v4+s29+$0xFFFFFC60 ss:$0x1] =	vst.idx.msk $0xffff, v16;
	v16 =	vmul.f32 v62, v5  }
0x1be: {  	v11 =	vld.idx.msk [tilespmem:v4+s30+$0x450 ss:$0x1], $0xffff;
	[tilespmem:v4+s29+$0xFFFFFC70 ss:$0x1] =	vst.idx.msk $0xffff, v9;
	v63 =	vmul.f32 v12, v5  }
0x1bf: {  	s1 =	simm.s32 $0x0;
	v15 =	vsub.f32 v15, v17;
	v9 =	vld.idx.msk [tilespmem:v4+s31+$0x460 ss:$0x1], $0xffff;
	[tilespmem:v4+s29+$0x0 ss:$0x1] =	vst.idx.msk $0xffff, v16  }
0x1c0: {  	s17 =	sadd.s32 $0x800, s31;
	s19 =	smov.u32 s30;
	s0 =	smov.u32 s29;
	v12 =	vld.idx.msk [tilespmem:v4+s30+$0x460 ss:$0x1], $0xffff;
	[tilespmem:v4+s29+$0x10 ss:$0x1] =	vst.idx.msk $0xffff, v63  }
.LBB2_15:
0x1c1: {  	v16 =	vld.idx.msk [tilespmem:v4+s17+$0x470 ss:$0x1], $0xffff;
	[tilespmem:v4+s0+$0x20 ss:$0x1] =	vst.idx.msk $0xffff, v14;
	v14 =	vmul.f32 v15, v5;
	v7 =	vsub.f32 v7, v10;
	s19 =	sadd.s32 $0x800, s19  }
0x1c2: {  	s1 =	sadd.s32 $0x10, s1;
	v10 =	vld.idx.msk [tilespmem:v4+s19+$0x470 ss:$0x1], $0xffff  }
0x1c3: {  	p0 =	slt.u32 s1, $0x30;
	v8 =	vsub.f32 v8, v11;
	v15 =	vld.idx.msk [tilespmem:v4+s19+$0x0 ss:$0x1], $0xffff;
	[tilespmem:v4+s0+$0x30 ss:$0x1] =	vst.idx.msk $0xffff, v14;
	v7 =	vmul.f32 v7, v5  }
0x1c4: {  	v11 =	vld.idx.msk [tilespmem:v4+s17+$0x10 ss:$0x1], $0xffff  }
0x1c5: {  	v14 =	vld.idx.msk [tilespmem:v4+s19+$0x10 ss:$0x1], $0xffff;
	[tilespmem:v4+s0+$0x40 ss:$0x1] =	vst.idx.msk $0xffff, v7;
	v7 =	vmul.f32 v8, v5;
	v8 =	vsub.f32 v9, v12  }
0x1c6: {  	v17 =	vsub.f32 v13, v6;
	v9 =	vld.idx.msk [tilespmem:v4+s17+$0x20 ss:$0x1], $0xffff  }
0x1c7: {  	v12 =	vld.idx.msk [tilespmem:v4+s19+$0x20 ss:$0x1], $0xffff;
	[tilespmem:v4+s0+$0x50 ss:$0x1] =	vst.idx.msk $0xffff, v7;
	v7 =	vmul.f32 v8, v5  }
0x1c8: {  	v10 =	vsub.f32 v16, v10;
	v13 =	vmul.f32 v17, v5;
	v8 =	vld.idx.msk [tilespmem:v4+s17+$0x30 ss:$0x1], $0xffff  }
0x1c9: {  	v6 =	vmov v15;
	v16 =	vld.idx.msk [tilespmem:v4+s19+$0x30 ss:$0x1], $0xffff;
	[tilespmem:v4+s0+$0x60 ss:$0x1] =	vst.idx.msk $0xffff, v7  }
0x1ca: {  	v10 =	vmul.f32 v10, v5;
	v7 =	vld.idx.msk [tilespmem:v4+s17+$0x40 ss:$0x1], $0xffff;
	[tilespmem:v4+s0+$0xFFFFFC00 ss:$0x1] =	vst.idx.msk $0xffff, v13  }
0x1cb: {  	v11 =	vsub.f32 v11, v14;
	s0 =	sadd.s32 $0x800, s0;
	v13 =	vld.idx.msk [tilespmem:v4+s19+$0x40 ss:$0x1], $0xffff  }
0x1cc: {  	v14 =	vld.idx.msk [tilespmem:v4+s17+$0x50 ss:$0x1], $0xffff;
	[tilespmem:v4+s0+$0x70 ss:$0x1] =	vst.idx.msk $0xffff, v10  }
0x1cd: {  	v10 =	vmul.f32 v11, v5;
	v9 =	vsub.f32 v9, v12;
	v11 =	vld.idx.msk [tilespmem:v4+s19+$0x50 ss:$0x1], $0xffff  }
0x1ce: {  	v12 =	vld.idx.msk [tilespmem:v4+s17+$0x60 ss:$0x1], $0xffff  }
0x1cf: {  	v9 =	vmul.f32 v9, v5;
	v8 =	vsub.f32 v8, v16;
	[tilespmem:v4+s0+$0xFFFFFC10 ss:$0x1] =	vst.idx.msk $0xffff, v10;
	v10 =	vld.idx.msk [tilespmem:v4+s19+$0x60 ss:$0x1], $0xffff  }
0x1d0: {  	v15 =	vld.idx.msk [tilespmem:v4+s17+$0x70 ss:$0x1], $0xffff  }
0x1d1: {  	v8 =	vmul.f32 v8, v5;
	v7 =	vsub.f32 v7, v13;
	[tilespmem:v4+s0+$0xFFFFFC20 ss:$0x1] =	vst.idx.msk $0xffff, v9;
	v9 =	vld.idx.msk [tilespmem:v4+s19+$0x70 ss:$0x1], $0xffff  }
0x1d2: {  	v13 =	vld.idx.msk [tilespmem:v4+s17+$0x400 ss:$0x1], $0xffff  }
0x1d3: {  	v7 =	vmul.f32 v7, v5;
	[tilespmem:v4+s0+$0xFFFFFC30 ss:$0x1] =	vst.idx.msk $0xffff, v8;
	v8 =	vsub.f32 v14, v11;
	v11 =	vld.idx.msk [tilespmem:v4+s19+$0x400 ss:$0x1], $0xffff  }
0x1d4: {  	v14 =	vld.idx.msk [tilespmem:v4+s17+$0x410 ss:$0x1], $0xffff  }
0x1d5: {  	[tilespmem:v4+s0+$0xFFFFFC40 ss:$0x1] =	vst.idx.msk $0xffff, v7;
	v7 =	vmul.f32 v8, v5;
	v8 =	vsub.f32 v12, v10;
	v10 =	vld.idx.msk [tilespmem:v4+s19+$0x410 ss:$0x1], $0xffff  }
0x1d6: {  	v12 =	vld.idx.msk [tilespmem:v4+s17+$0x420 ss:$0x1], $0xffff  }
0x1d7: {  	[tilespmem:v4+s0+$0xFFFFFC50 ss:$0x1] =	vst.idx.msk $0xffff, v7;
	v7 =	vmul.f32 v8, v5;
	v8 =	vsub.f32 v15, v9;
	v9 =	vld.idx.msk [tilespmem:v4+s19+$0x420 ss:$0x1], $0xffff  }
0x1d8: {  	v15 =	vld.idx.msk [tilespmem:v4+s17+$0x430 ss:$0x1], $0xffff  }
0x1d9: {  	v11 =	vsub.f32 v13, v11;
	[tilespmem:v4+s0+$0xFFFFFC60 ss:$0x1] =	vst.idx.msk $0xffff, v7;
	v8 =	vmul.f32 v8, v5;
	v13 =	vld.idx.msk [tilespmem:v4+s19+$0x430 ss:$0x1], $0xffff  }
0x1da: {  	v7 =	vld.idx.msk [tilespmem:v4+s17+$0x440 ss:$0x1], $0xffff  }
0x1db: {  	v11 =	vmul.f32 v11, v5;
	v14 =	vsub.f32 v14, v10;
	[tilespmem:v4+s0+$0xFFFFFC70 ss:$0x1] =	vst.idx.msk $0xffff, v8;
	v10 =	vld.idx.msk [tilespmem:v4+s19+$0x440 ss:$0x1], $0xffff  }
.Ltmp6:
0x1dc: {  	v8 =	vld.idx.msk [tilespmem:v4+s17+$0x450 ss:$0x1], $0xffff;
	(pc) =	sbr.rel @p0 .LBB2_15-.Ltmp6, $4  }
0x1dd: {  	v14 =	vmul.f32 v14, v5;
	v12 =	vsub.f32 v12, v9;
	[tilespmem:v4+s0+$0x0 ss:$0x1] =	vst.idx.msk $0xffff, v11;
	v11 =	vld.idx.msk [tilespmem:v4+s19+$0x450 ss:$0x1], $0xffff  }
0x1de: {  	v9 =	vld.idx.msk [tilespmem:v4+s17+$0x460 ss:$0x1], $0xffff  }
0x1df: {  	v15 =	vsub.f32 v15, v13;
	[tilespmem:v4+s0+$0x10 ss:$0x1] =	vst.idx.msk $0xffff, v14;
	v14 =	vmul.f32 v12, v5;
	v12 =	vld.idx.msk [tilespmem:v4+s19+$0x460 ss:$0x1], $0xffff  }
0x1e0: {  	v13 =	vld.idx.msk [tilespmem:v4+s17+$0x0 ss:$0x1], $0xffff;
	s17 =	sadd.s32 $0x800, s17  }
0x1e1: {  	_ =	sdelay $0x1  }
0x1e2: {  	v7 =	vsub.f32 v7, v10  }
0x1e3: {  	v62 =	vmul.f32 v15, v5;
	s26 =	sadd.s32 $0x1, s26;
	v8 =	vsub.f32 v8, v11  }
0x1e4: {  	[tilespmem:v4+s0+$0x20 ss:$0x1] =	vst.idx.msk $0xffff, v14;
	p0 =	sne.s32 s26, $0x20;
	v7 =	vmul.f32 v7, v5;
	v9 =	vsub.f32 v9, v12  }
.Ltmp7:
0x1e5: {  	[tilespmem:v4+s0+$0x30 ss:$0x1] =	vst.idx.msk $0xffff, v62;
	v8 =	vmul.f32 v8, v5;
	v6 =	vsub.f32 v13, v6;
	(pc) =	sbr.rel @p0 .LBB2_14-.Ltmp7, $4  }
0x1e6: {  	[tilespmem:v4+s0+$0x40 ss:$0x1] =	vst.idx.msk $0xffff, v7;
	v63 =	vmul.f32 v9, v5  }
0x1e7: {  	[tilespmem:v4+s0+$0x50 ss:$0x1] =	vst.idx.msk $0xffff, v8;
	v5 =	vmul.f32 v6, v5  }
0x1e8: {  	s28 =	sadd.s32 $0x400, s28;
	[tilespmem:v4+s0+$0x60 ss:$0x1] =	vst.idx.msk $0xffff, v63  }
0x1e9: {  	s29 =	sadd.s32 $0x80, s29;
	s30 =	sadd.s32 $0x80, s30;
	s31 =	sadd.s32 $0x80, s31;
	[tilespmem:v4+s0+$0xFFFFFC00 ss:$0x1] =	vst.idx.msk $0xffff, v5  }
0x1ea: {  	[hbm4b:s13+s2] =	stream.linear.scatter [tilespmem:s23], [sflag:$0x5], $0x2000, $0x38;
	[tilespmem:$0x19100] =	vst v63  }
0x1eb: {  	_ =	swait.ge [sflag:s24], $0x2000  }
0x1ec: {  	[sflag:s24] =	ssyncset.done $0x0  }
0x1ed: {  	[sflag:s24] =	ssyncadd.s32 $0xFFFFE000  }
0x1ee: {  	_ =	swait.ge [sflag:s24], $0x2000  }
0x1ef: {  	[sflag:s24] =	ssyncset.done $0x0  }
0x1f0: {  	s25 =	sadd.s32 $0x1, s25;
	[sflag:s24] =	ssyncadd.s32 $0xFFFFE000  }
0x1f1: {  	p0 =	sne.s32 s25, s14;
	_ =	swait.ge [sflag:s24], $0x2000  }
.Ltmp8:
0x1f2: {  	[sflag:s24] =	ssyncset.done $0x0;
	(pc) =	sbr.rel @p0 .LBB2_1-.Ltmp8, $4  }
0x1f3: {  	[sflag:s24] =	ssyncadd.s32 $0xFFFFE000  }
0x1f4: {  	_ =	swait.ge [sflag:s24], $0x2000  }
0x1f5: {  	[sflag:s24] =	ssyncset.done $0x0  }
0x1f6: {  	[sflag:s24] =	ssyncadd.s32 $0xFFFFE000  }
0x1f7: {  	_ =	sfence.sel $0x180000  }
0x1f8: {  	[bflag:$0x0] =	sbarrier.arrive $0xFFFF  }
0x1f9: {  	_ =	strace $0x90000047  }
0x1fa: {  	s0 =	stileid.u32;
	[bflag:$0x2] =	sbarrier.arrive $0xFFFF  }
0x1fb: {  	p0 =	sne.s32 s0, $0x0;
	s0 =	rddreg [dreg:$0x2]  }
0x1fc: {  	s0 =	sadd.s32 @!p0 $0x100000, s0  }
0x1fd: {  	[sflag:s0] =	ssyncadd.tile.s32 @!p0 $0x1;
	_ =	shalt  }
.Lfunc_end2:
_tile_overlayer_lowered:
.L_overlay_start_2:
0x1fe: {  	(tag) =	ssettag $0x2  }
0x1ff: {  	s0 =	rddreg [dreg:$0x0];
	s2 =	stileid.u32  }
0x200: {  	s1 =	rddreg [dreg:$0x1];
	p0 =	sne.s32 s2, $0x0  }
0x201: {  	s3 =	rddreg [dreg:$0x2];
	[bflag:$0x3] =	sbarrier.arrive $0xFFFF;
	s2 =	simm.s32 @!p0 $0x1C06  }
0x202: {  	[timem:s3], [sflag:s2] =	dma.local @!p0 [hbm:s0], s1  }
0x203: {  	s0 =	simm.s32 @!p0 $0x6  }
0x204: {  	_ =	swait.ge @!p0 [sflag:s0], s1  }
0x205: {  	s1 =	ssub.s32 @!p0 $0x0, s1;
	[sflag:s0] =	ssyncset.done @!p0 $0x0  }
0x206: {  	[sflag:s0] =	ssyncadd.s32 @!p0 s1  }
0x207: {  	[bflag:$0x3] =	sbarrier.arrive $0xFFFF  }
0x208: {  	_ =	shalt  }

</sc_bundles>
